<compile_context>
chip_gen: v7x
topology: tpu7x:2x2x1
jax: 0.10.2.dev20260603
libtpu: 0.0.44.dev20260713+nightly
codegen_flags: <defaults>
</compile_context>

<pallas_src>
import functools

import jax
import jax.numpy as jnp
from jax import lax
from jax.experimental import pallas as pl
from jax.experimental.pallas import tpu as pltpu
from jax.experimental.pallas import tpu_sc as plsc

VOCAB = 32000
HIDDEN = 4096
BATCH = 4
SEQ = 4096
NTOK = BATCH * SEQ
NC = 2
NS = 16
NW = NC * NS
PER_W = NTOK // NW
CHUNK = 4
NCHUNK = PER_W // CHUNK
NBUF = 3
NSLOT = 3

_mesh = plsc.VectorSubcoreMesh(core_axis_name="c", subcore_axis_name="s")


@functools.partial(
    pl.kernel,
    out_type=jax.ShapeDtypeStruct((NTOK, HIDDEN), jnp.float32),
    mesh=_mesh,
    scratch_types=[
        pltpu.VMEM((NCHUNK, CHUNK), jnp.int32),
        [pltpu.VMEM((CHUNK, HIDDEN), jnp.float32) for _ in range(NBUF)],
        pltpu.VMEM_SHARED((NS, NSLOT, CHUNK, HIDDEN), jnp.float32),
        [pltpu.SemaphoreType.DMA for _ in range(NBUF)],
        [pltpu.SemaphoreType.DMA for _ in range(NBUF)],
        [pltpu.SemaphoreType.DMA for _ in range(NSLOT)],
    ],
)
def _emb_lookup(idx_hbm, table_hbm, out_hbm, idx_v, bufs, shared,
                gsems, psems, dsems):
    cid = lax.axis_index("c")
    sid = lax.axis_index("s")
    wid = sid * NC + cid
    base = wid * PER_W

    pltpu.sync_copy(idx_hbm.at[wid], idx_v)

    def gather_start(c, b):
        pltpu.async_copy(table_hbm.at[idx_v.at[c]], bufs[b], gsems[b])

    def gather_wait(c, b):
        pltpu.make_async_copy(table_hbm.at[idx_v.at[c]], bufs[b], gsems[b]).wait()

    def push_start(c, b):
        pltpu.async_copy(bufs[b], shared.at[sid, c % NSLOT], psems[b])

    def push_wait(c, b):
        pltpu.make_async_copy(
            bufs[b], shared.at[sid, c % NSLOT], psems[b]).wait()

    def dma_start(c, r):
        pltpu.async_copy(shared.at[sid, c % NSLOT],
                         out_hbm.at[pl.ds(base + c * CHUNK, CHUNK)], dsems[r])

    def dma_wait(c, r):
        pltpu.make_async_copy(
            shared.at[sid, c % NSLOT],
            out_hbm.at[pl.ds(base + c * CHUNK, CHUNK)], dsems[r]).wait()

    for b in range(NBUF):
        gather_start(b, b)

    def step(i, carry):
        for lane in range(NBUF):
            c = i * NBUF + lane
            b = lane
            pb = (lane - 1) % NBUF
            gather_wait(c, b)

            @pl.when(c >= 1)
            def _push_prev():
                push_wait(c - 1, pb)
                dma_start(c - 1, pb)

            @pl.when(c >= NSLOT)
            def _free_slot():
                dma_wait(c - NSLOT, b)

            push_start(c, b)

            @pl.when(jnp.logical_and(c >= 1, c + NBUF - 1 < NCHUNK))
            def _refill():
                gather_start(c + NBUF - 1, pb)

        return carry

    lax.fori_loop(0, NCHUNK // NBUF, step, 0)

    for c in range(NBUF * (NCHUNK // NBUF), NCHUNK):
        b = c % NBUF
        pb = (b - 1) % NBUF
        gather_wait(c, b)
        push_wait(c - 1, pb)
        dma_start(c - 1, pb)
        dma_wait(c - NSLOT, b)
        push_start(c, b)

    last = NCHUNK - 1
    push_wait(last, last % NBUF)
    dma_start(last, last % NSLOT)
    for k in range(NSLOT - 1, -1, -1):
        dma_wait(last - k, (last - k) % NSLOT)


def kernel(input_args, embed_tokens_weight):
    idx = input_args.reshape(NW, NCHUNK, CHUNK).astype(jnp.int32)
    out = _emb_lookup(idx, embed_tokens_weight)
    return out.reshape(BATCH, SEQ, HIDDEN)

# --- scband reference (transcript-rebuilt; emitter-appended) ---
"""Pipeline reference for scband-pipe-llama-emb-38517266710754 (READ-ONLY COPY).

The authoritative reference and input builder live on the scoring server;
editing this copy changes nothing except your own understanding.
"""

import jax, jax.numpy as jnp
import numpy as np

VOCAB = 32000
HIDDEN = 4096
BATCH = 4
SEQ = 4096

def setup_inputs(seed: int = 0) -> dict:
    key = jax.random.key(seed)
    k1, k2 = jax.random.split(key)
    input_args = jax.random.randint(k1, (BATCH, SEQ), 0, VOCAB, dtype=jnp.int64 if jax.config.jax_enable_x64 else jnp.int32)
    embed_tokens_weight = jax.random.normal(k2, (VOCAB, HIDDEN), dtype=jnp.float32) * 0.02
    # padding_idx row is zeroed at init in torch Embedding
    embed_tokens_weight = embed_tokens_weight.at[0].set(0.0)
    return {"input_args": input_args, "embed_tokens_weight": embed_tokens_weight}

def reference(input_args, embed_tokens_weight):
    # Faithful translation: inputs_embeds = self.embed_tokens(input_ids)
    inputs_embeds = jnp.take(embed_tokens_weight, input_args, axis=0)
    return inputs_embeds

if __name__ == "__main__":
    import jax
    _d = setup_inputs()
    print(jax.jit(kernel)(*tuple(_d.values())))

</pallas_src>

<mosaic_0001>
#map = affine_map<(d0, d1) -> (0, 0, 0)>
#map1 = affine_map<(d0, d1) -> (0, 0)>
module attributes {stable_mosaic.version = 14 : i64} {
  func.func @_emb_lookup(%arg0: i32, %arg1: i32, %arg2: memref<32x128x4xi32, #tpu.memory_space<hbm>>, %arg3: memref<32000x4096xf32, #tpu.memory_space<hbm>>, %arg4: memref<16384x4096xf32, #tpu.memory_space<hbm>>, %arg5: memref<128x4xi32, #tpu.memory_space<vmem>>, %arg6: memref<4x4096xf32, #tpu.memory_space<vmem>>, %arg7: memref<4x4096xf32, #tpu.memory_space<vmem>>, %arg8: memref<4x4096xf32, #tpu.memory_space<vmem>>, %arg9: memref<16x3x4x4096xf32, #tpu.memory_space<vmem_shared>>, %arg10: memref<!tpu.dma_semaphore, #tpu.memory_space<semaphore_mem>>, %arg11: memref<!tpu.dma_semaphore, #tpu.memory_space<semaphore_mem>>, %arg12: memref<!tpu.dma_semaphore, #tpu.memory_space<semaphore_mem>>, %arg13: memref<!tpu.dma_semaphore, #tpu.memory_space<semaphore_mem>>, %arg14: memref<!tpu.dma_semaphore, #tpu.memory_space<semaphore_mem>>, %arg15: memref<!tpu.dma_semaphore, #tpu.memory_space<semaphore_mem>>, %arg16: memref<!tpu.dma_semaphore, #tpu.memory_space<semaphore_mem>>, %arg17: memref<!tpu.dma_semaphore, #tpu.memory_space<semaphore_mem>>, %arg18: memref<!tpu.dma_semaphore, #tpu.memory_space<semaphore_mem>>) attributes {dimension_semantics = [#tpu.dimension_semantics<core_parallel>, #tpu.dimension_semantics<subcore_parallel>], iteration_bounds = array<i64: 2, 16>, scalar_prefetch = 0 : i64, scratch_operands = 14 : i64, tpu.core_type = #tpu.core_type<sc_vector_subcore>, window_params = [{transform_indices = #map}, {transform_indices = #map1}, {transform_indices = #map1}]} {
    %mul3A = arith.constant 2 : i32
    %mul3A_0 = arith.muli %arg1, %mul3A : i32
    %add3A = arith.addi %mul3A_0, %arg0 : i32
    %mul3A_1 = arith.constant 512 : i32
    %mul3A_2 = arith.muli %add3A, %mul3A_1 : i32
    "tpu.region"() ({
      %run_scoped3A = tpu.sem_alloc : memref<!tpu.dma_semaphore, #tpu.memory_space<semaphore_mem>>
      %dma_start3A_158 = arith.constant 0 : i32
      %dma_start3A_159 = arith.constant 0 : i32
      %dma_start3A_160 = tpu.memref_slice %arg2[%add3A, %dma_start3A_158, %dma_start3A_159] : memref<32x128x4xi32, #tpu.memory_space<hbm>> -> memref<1x128x4xi32, #tpu.memory_space<hbm>>
      %dma_start3A_161 = tpu.memref_squeeze %dma_start3A_160 : memref<1x128x4xi32, #tpu.memory_space<hbm>> -> memref<128x4xi32, #tpu.memory_space<hbm>>
      %dma_start3A_162 = arith.constant 0 : i32
      %dma_start3A_163 = arith.constant 0 : i32
      %dma_start3A_164 = tpu.memref_slice %arg2[%add3A, %dma_start3A_162, %dma_start3A_163] : memref<32x128x4xi32, #tpu.memory_space<hbm>> -> memref<1x128x4xi32, #tpu.memory_space<hbm>>
      %dma_start3A_165 = tpu.memref_squeeze %dma_start3A_164 : memref<1x128x4xi32, #tpu.memory_space<hbm>> -> memref<128x4xi32, #tpu.memory_space<hbm>>
      tpu.enqueue_dma source(%dma_start3A_165 : memref<128x4xi32, #tpu.memory_space<hbm>>) target(%arg5 : memref<128x4xi32, #tpu.memory_space<vmem>>) target_semaphore(%run_scoped3A : memref<!tpu.dma_semaphore, #tpu.memory_space<semaphore_mem>>)
      %dma_wait3A_166 = arith.constant 0 : i32
      %dma_wait3A_167 = arith.constant 0 : i32
      %dma_wait3A_168 = tpu.memref_slice %arg2[%add3A, %dma_wait3A_166, %dma_wait3A_167] : memref<32x128x4xi32, #tpu.memory_space<hbm>> -> memref<1x128x4xi32, #tpu.memory_space<hbm>>
      %dma_wait3A_169 = tpu.memref_squeeze %dma_wait3A_168 : memref<1x128x4xi32, #tpu.memory_space<hbm>> -> memref<128x4xi32, #tpu.memory_space<hbm>>
      %dma_wait3A_170 = arith.constant 0 : i32
      %dma_wait3A_171 = arith.constant 0 : i32
      %dma_wait3A_172 = tpu.memref_slice %arg2[%add3A, %dma_wait3A_170, %dma_wait3A_171] : memref<32x128x4xi32, #tpu.memory_space<hbm>> -> memref<1x128x4xi32, #tpu.memory_space<hbm>>
      %dma_wait3A_173 = tpu.memref_squeeze %dma_wait3A_172 : memref<1x128x4xi32, #tpu.memory_space<hbm>> -> memref<128x4xi32, #tpu.memory_space<hbm>>
      tpu.wait_dma2 semaphore(%run_scoped3A : memref<!tpu.dma_semaphore, #tpu.memory_space<semaphore_mem>>) src(%dma_wait3A_173 : memref<128x4xi32, #tpu.memory_space<hbm>>) dst(%arg5 : memref<128x4xi32, #tpu.memory_space<vmem>>)
      tpu.yield
    }) : () -> ()
    %dma_start3A = arith.constant 0 : i32
    %dma_start3A_3 = arith.constant 0 : i32
    %dma_start3A_4 = tpu.memref_slice %arg5[%dma_start3A, %dma_start3A_3] : memref<128x4xi32, #tpu.memory_space<vmem>> -> memref<1x4xi32, #tpu.memory_space<vmem>>
    %dma_start3A_5 = tpu.memref_squeeze %dma_start3A_4 : memref<1x4xi32, #tpu.memory_space<vmem>> -> memref<4xi32, #tpu.memory_space<vmem>>
    %dma_start3A_6 = arith.constant 0 : i32
    %dma_start3A_7 = arith.constant 0 : i32
    %dma_start3A_8 = tpu.memref_slice %arg3[%dma_start3A_6, %dma_start3A_7] : memref<32000x4096xf32, #tpu.memory_space<hbm>> -> memref<32000x4096xf32, #tpu.memory_space<hbm>>
    tpu.enqueue_indirect_dma source(%dma_start3A_8 : memref<32000x4096xf32, #tpu.memory_space<hbm>>) target(%arg6 : memref<4x4096xf32, #tpu.memory_space<vmem>>) offsets(%dma_start3A_5 : memref<4xi32, #tpu.memory_space<vmem>>) semaphore(%arg10 : memref<!tpu.dma_semaphore, #tpu.memory_space<semaphore_mem>>)
    %dma_start3A_9 = arith.constant 1 : i32
    %dma_start3A_10 = arith.constant 0 : i32
    %dma_start3A_11 = tpu.memref_slice %arg5[%dma_start3A_9, %dma_start3A_10] : memref<128x4xi32, #tpu.memory_space<vmem>> -> memref<1x4xi32, #tpu.memory_space<vmem>>
    %dma_start3A_12 = tpu.memref_squeeze %dma_start3A_11 : memref<1x4xi32, #tpu.memory_space<vmem>> -> memref<4xi32, #tpu.memory_space<vmem>>
    %dma_start3A_13 = arith.constant 0 : i32
    %dma_start3A_14 = arith.constant 0 : i32
    %dma_start3A_15 = tpu.memref_slice %arg3[%dma_start3A_13, %dma_start3A_14] : memref<32000x4096xf32, #tpu.memory_space<hbm>> -> memref<32000x4096xf32, #tpu.memory_space<hbm>>
    tpu.enqueue_indirect_dma source(%dma_start3A_15 : memref<32000x4096xf32, #tpu.memory_space<hbm>>) target(%arg7 : memref<4x4096xf32, #tpu.memory_space<vmem>>) offsets(%dma_start3A_12 : memref<4xi32, #tpu.memory_space<vmem>>) semaphore(%arg11 : memref<!tpu.dma_semaphore, #tpu.memory_space<semaphore_mem>>)
    %dma_start3A_16 = arith.constant 2 : i32
    %dma_start3A_17 = arith.constant 0 : i32
    %dma_start3A_18 = tpu.memref_slice %arg5[%dma_start3A_16, %dma_start3A_17] : memref<128x4xi32, #tpu.memory_space<vmem>> -> memref<1x4xi32, #tpu.memory_space<vmem>>
    %dma_start3A_19 = tpu.memref_squeeze %dma_start3A_18 : memref<1x4xi32, #tpu.memory_space<vmem>> -> memref<4xi32, #tpu.memory_space<vmem>>
    %dma_start3A_20 = arith.constant 0 : i32
    %dma_start3A_21 = arith.constant 0 : i32
    %dma_start3A_22 = tpu.memref_slice %arg3[%dma_start3A_20, %dma_start3A_21] : memref<32000x4096xf32, #tpu.memory_space<hbm>> -> memref<32000x4096xf32, #tpu.memory_space<hbm>>
    tpu.enqueue_indirect_dma source(%dma_start3A_22 : memref<32000x4096xf32, #tpu.memory_space<hbm>>) target(%arg8 : memref<4x4096xf32, #tpu.memory_space<vmem>>) offsets(%dma_start3A_19 : memref<4xi32, #tpu.memory_space<vmem>>) semaphore(%arg12 : memref<!tpu.dma_semaphore, #tpu.memory_space<semaphore_mem>>)
    %scan3A = arith.constant 0 : i32
    %scan3A_23 = arith.constant 0 : i32
    %scan3A_24 = arith.constant 42 : i32
    %scan3A_25 = arith.addi %scan3A_23, %scan3A_24 : i32
    %scan3A_26 = arith.constant 1 : i32
    scf.for %scan3A_158 = %scan3A_23 to %scan3A_25 step %scan3A_26  : i32 {
      %mul3A_159 = arith.constant 3 : i32
      %mul3A_160 = arith.muli %scan3A_158, %mul3A_159 : i32
      %add3A_161 = arith.constant 0 : i32
      %add3A_162 = arith.addi %mul3A_160, %add3A_161 : i32
      %dma_wait3A_163 = arith.constant 0 : i32
      %dma_wait3A_164 = tpu.memref_slice %arg5[%add3A_162, %dma_wait3A_163] : memref<128x4xi32, #tpu.memory_space<vmem>> -> memref<1x4xi32, #tpu.memory_space<vmem>>
      %dma_wait3A_165 = tpu.memref_squeeze %dma_wait3A_164 : memref<1x4xi32, #tpu.memory_space<vmem>> -> memref<4xi32, #tpu.memory_space<vmem>>
      %dma_wait3A_166 = arith.constant 0 : i32
      %dma_wait3A_167 = arith.constant 0 : i32
      %dma_wait3A_168 = tpu.memref_slice %arg3[%dma_wait3A_166, %dma_wait3A_167] : memref<32000x4096xf32, #tpu.memory_space<hbm>> -> memref<32000x4096xf32, #tpu.memory_space<hbm>>
      tpu.wait_indirect_dma semaphore(%arg10 : memref<!tpu.dma_semaphore, #tpu.memory_space<semaphore_mem>>) src(%dma_wait3A_168 : memref<32000x4096xf32, #tpu.memory_space<hbm>>) dst(%arg6 : memref<4x4096xf32, #tpu.memory_space<vmem>>)
      %ge3A = arith.constant 1 : i32
      %ge3A_169 = arith.cmpi sge, %add3A_162, %ge3A : i32
      %convert_element_type3A = arith.extui %ge3A_169 : i1 to i32
      %cond3A = arith.constant 0 : i32
      %cond3A_170 = arith.cmpi ne, %convert_element_type3A, %cond3A : i32
      scf.if %cond3A_170 {
        %sub3A_316 = arith.constant 1 : i32
        %sub3A_317 = arith.subi %add3A_162, %sub3A_316 : i32
        %jit3A_318 = arith.constant 3 : i32
        %eq3A_319 = arith.constant 0 : i32
        %eq3A_320 = arith.cmpi eq, %jit3A_318, %eq3A_319 : i32
        %jit3A_321 = arith.constant 1 : i32
        %select_n3A_322 = arith.select %eq3A_320, %jit3A_321, %jit3A_318 : i32
        %rem3A_323 = arith.remsi %sub3A_317, %select_n3A_322 : i32
        %ne3A_324 = arith.constant 0 : i32
        %ne3A_325 = arith.cmpi ne, %rem3A_323, %ne3A_324 : i32
        %lt3A_326 = arith.constant 0 : i32
        %lt3A_327 = arith.cmpi slt, %rem3A_323, %lt3A_326 : i32
        %lt3A_328 = arith.constant 0 : i32
        %lt3A_329 = arith.cmpi slt, %select_n3A_322, %lt3A_328 : i32
        %ne3A_330 = arith.xori %lt3A_327, %lt3A_329 : i1
        %and3A_331 = arith.andi %ne3A_330, %ne3A_325 : i1
        %add3A_332 = arith.addi %rem3A_323, %select_n3A_322 : i32
        %select_n3A_333 = arith.select %and3A_331, %add3A_332, %rem3A_323 : i32
        %dma_wait3A_334 = arith.constant 0 : i32
        %dma_wait3A_335 = arith.constant 0 : i32
        %dma_wait3A_336 = tpu.memref_slice %arg9[%arg1, %select_n3A_333, %dma_wait3A_334, %dma_wait3A_335] : memref<16x3x4x4096xf32, #tpu.memory_space<vmem_shared>> -> memref<1x1x4x4096xf32, #tpu.memory_space<vmem_shared>>
        %dma_wait3A_337 = tpu.memref_squeeze %dma_wait3A_336 : memref<1x1x4x4096xf32, #tpu.memory_space<vmem_shared>> -> memref<4x4096xf32, #tpu.memory_space<vmem_shared>>
        %dma_wait3A_338 = arith.constant 0 : i32
        %dma_wait3A_339 = arith.constant 0 : i32
        %dma_wait3A_340 = tpu.memref_slice %arg9[%arg1, %select_n3A_333, %dma_wait3A_338, %dma_wait3A_339] : memref<16x3x4x4096xf32, #tpu.memory_space<vmem_shared>> -> memref<1x1x4x4096xf32, #tpu.memory_space<vmem_shared>>
        %dma_wait3A_341 = tpu.memref_squeeze %dma_wait3A_340 : memref<1x1x4x4096xf32, #tpu.memory_space<vmem_shared>> -> memref<4x4096xf32, #tpu.memory_space<vmem_shared>>
        tpu.wait_dma2 semaphore(%arg15 : memref<!tpu.dma_semaphore, #tpu.memory_space<semaphore_mem>>) src(%arg8 : memref<4x4096xf32, #tpu.memory_space<vmem>>) dst(%dma_wait3A_341 : memref<4x4096xf32, #tpu.memory_space<vmem_shared>>)
        %sub3A_342 = arith.constant 1 : i32
        %sub3A_343 = arith.subi %add3A_162, %sub3A_342 : i32
        %jit3A_344 = arith.constant 3 : i32
        %eq3A_345 = arith.constant 0 : i32
        %eq3A_346 = arith.cmpi eq, %jit3A_344, %eq3A_345 : i32
        %jit3A_347 = arith.constant 1 : i32
        %select_n3A_348 = arith.select %eq3A_346, %jit3A_347, %jit3A_344 : i32
        %rem3A_349 = arith.remsi %sub3A_343, %select_n3A_348 : i32
        %ne3A_350 = arith.constant 0 : i32
        %ne3A_351 = arith.cmpi ne, %rem3A_349, %ne3A_350 : i32
        %lt3A_352 = arith.constant 0 : i32
        %lt3A_353 = arith.cmpi slt, %rem3A_349, %lt3A_352 : i32
        %lt3A_354 = arith.constant 0 : i32
        %lt3A_355 = arith.cmpi slt, %select_n3A_348, %lt3A_354 : i32
        %ne3A_356 = arith.xori %lt3A_353, %lt3A_355 : i1
        %and3A_357 = arith.andi %ne3A_356, %ne3A_351 : i1
        %add3A_358 = arith.addi %rem3A_349, %select_n3A_348 : i32
        %select_n3A_359 = arith.select %and3A_357, %add3A_358, %rem3A_349 : i32
        %mul3A_360 = arith.constant 4 : i32
        %mul3A_361 = arith.muli %sub3A_343, %mul3A_360 : i32
        %add3A_362 = arith.addi %mul3A_2, %mul3A_361 : i32
        %dma_start3A_363 = arith.constant 0 : i32
        %dma_start3A_364 = tpu.memref_slice %arg4[%add3A_362, %dma_start3A_363] : memref<16384x4096xf32, #tpu.memory_space<hbm>> -> memref<4x4096xf32, #tpu.memory_space<hbm>>
        %dma_start3A_365 = arith.constant 0 : i32
        %dma_start3A_366 = arith.constant 0 : i32
        %dma_start3A_367 = tpu.memref_slice %arg9[%arg1, %select_n3A_359, %dma_start3A_365, %dma_start3A_366] : memref<16x3x4x4096xf32, #tpu.memory_space<vmem_shared>> -> memref<1x1x4x4096xf32, #tpu.memory_space<vmem_shared>>
        %dma_start3A_368 = tpu.memref_squeeze %dma_start3A_367 : memref<1x1x4x4096xf32, #tpu.memory_space<vmem_shared>> -> memref<4x4096xf32, #tpu.memory_space<vmem_shared>>
        tpu.enqueue_dma source(%dma_start3A_368 : memref<4x4096xf32, #tpu.memory_space<vmem_shared>>) target(%dma_start3A_364 : memref<4x4096xf32, #tpu.memory_space<hbm>>) target_semaphore(%arg18 : memref<!tpu.dma_semaphore, #tpu.memory_space<semaphore_mem>>)
      } else {
      }
      %ge3A_171 = arith.constant 3 : i32
      %ge3A_172 = arith.cmpi sge, %add3A_162, %ge3A_171 : i32
      %convert_element_type3A_173 = arith.extui %ge3A_172 : i1 to i32
      %cond3A_174 = arith.constant 0 : i32
      %cond3A_175 = arith.cmpi ne, %convert_element_type3A_173, %cond3A_174 : i32
      scf.if %cond3A_175 {
        %sub3A_316 = arith.constant 3 : i32
        %sub3A_317 = arith.subi %add3A_162, %sub3A_316 : i32
        %jit3A_318 = arith.constant 3 : i32
        %eq3A_319 = arith.constant 0 : i32
        %eq3A_320 = arith.cmpi eq, %jit3A_318, %eq3A_319 : i32
        %jit3A_321 = arith.constant 1 : i32
        %select_n3A_322 = arith.select %eq3A_320, %jit3A_321, %jit3A_318 : i32
        %rem3A_323 = arith.remsi %sub3A_317, %select_n3A_322 : i32
        %ne3A_324 = arith.constant 0 : i32
        %ne3A_325 = arith.cmpi ne, %rem3A_323, %ne3A_324 : i32
        %lt3A_326 = arith.constant 0 : i32
        %lt3A_327 = arith.cmpi slt, %rem3A_323, %lt3A_326 : i32
        %lt3A_328 = arith.constant 0 : i32
        %lt3A_329 = arith.cmpi slt, %select_n3A_322, %lt3A_328 : i32
        %ne3A_330 = arith.xori %lt3A_327, %lt3A_329 : i1
        %and3A_331 = arith.andi %ne3A_330, %ne3A_325 : i1
        %add3A_332 = arith.addi %rem3A_323, %select_n3A_322 : i32
        %select_n3A_333 = arith.select %and3A_331, %add3A_332, %rem3A_323 : i32
        %mul3A_334 = arith.constant 4 : i32
        %mul3A_335 = arith.muli %sub3A_317, %mul3A_334 : i32
        %add3A_336 = arith.addi %mul3A_2, %mul3A_335 : i32
        %dma_wait3A_337 = arith.constant 0 : i32
        %dma_wait3A_338 = tpu.memref_slice %arg4[%add3A_336, %dma_wait3A_337] : memref<16384x4096xf32, #tpu.memory_space<hbm>> -> memref<4x4096xf32, #tpu.memory_space<hbm>>
        %dma_wait3A_339 = arith.constant 0 : i32
        %dma_wait3A_340 = arith.constant 0 : i32
        %dma_wait3A_341 = tpu.memref_slice %arg9[%arg1, %select_n3A_333, %dma_wait3A_339, %dma_wait3A_340] : memref<16x3x4x4096xf32, #tpu.memory_space<vmem_shared>> -> memref<1x1x4x4096xf32, #tpu.memory_space<vmem_shared>>
        %dma_wait3A_342 = tpu.memref_squeeze %dma_wait3A_341 : memref<1x1x4x4096xf32, #tpu.memory_space<vmem_shared>> -> memref<4x4096xf32, #tpu.memory_space<vmem_shared>>
        tpu.wait_dma2 semaphore(%arg16 : memref<!tpu.dma_semaphore, #tpu.memory_space<semaphore_mem>>) src(%dma_wait3A_342 : memref<4x4096xf32, #tpu.memory_space<vmem_shared>>) dst(%dma_wait3A_338 : memref<4x4096xf32, #tpu.memory_space<hbm>>)
      } else {
      }
      %jit3A = arith.constant 3 : i32
      %eq3A = arith.constant 0 : i32
      %eq3A_176 = arith.cmpi eq, %jit3A, %eq3A : i32
      %jit3A_177 = arith.constant 1 : i32
      %select_n3A = arith.select %eq3A_176, %jit3A_177, %jit3A : i32
      %rem3A = arith.remsi %add3A_162, %select_n3A : i32
      %ne3A = arith.constant 0 : i32
      %ne3A_178 = arith.cmpi ne, %rem3A, %ne3A : i32
      %lt3A = arith.constant 0 : i32
      %lt3A_179 = arith.cmpi slt, %rem3A, %lt3A : i32
      %lt3A_180 = arith.constant 0 : i32
      %lt3A_181 = arith.cmpi slt, %select_n3A, %lt3A_180 : i32
      %ne3A_182 = arith.xori %lt3A_179, %lt3A_181 : i1
      %and3A = arith.andi %ne3A_182, %ne3A_178 : i1
      %add3A_183 = arith.addi %rem3A, %select_n3A : i32
      %select_n3A_184 = arith.select %and3A, %add3A_183, %rem3A : i32
      %dma_start3A_185 = arith.constant 0 : i32
      %dma_start3A_186 = arith.constant 0 : i32
      %dma_start3A_187 = tpu.memref_slice %arg9[%arg1, %select_n3A_184, %dma_start3A_185, %dma_start3A_186] : memref<16x3x4x4096xf32, #tpu.memory_space<vmem_shared>> -> memref<1x1x4x4096xf32, #tpu.memory_space<vmem_shared>>
      %dma_start3A_188 = tpu.memref_squeeze %dma_start3A_187 : memref<1x1x4x4096xf32, #tpu.memory_space<vmem_shared>> -> memref<4x4096xf32, #tpu.memory_space<vmem_shared>>
      %dma_start3A_189 = arith.constant 0 : i32
      %dma_start3A_190 = arith.constant 0 : i32
      %dma_start3A_191 = tpu.memref_slice %arg9[%arg1, %select_n3A_184, %dma_start3A_189, %dma_start3A_190] : memref<16x3x4x4096xf32, #tpu.memory_space<vmem_shared>> -> memref<1x1x4x4096xf32, #tpu.memory_space<vmem_shared>>
      %dma_start3A_192 = tpu.memref_squeeze %dma_start3A_191 : memref<1x1x4x4096xf32, #tpu.memory_space<vmem_shared>> -> memref<4x4096xf32, #tpu.memory_space<vmem_shared>>
      tpu.enqueue_dma source(%arg6 : memref<4x4096xf32, #tpu.memory_space<vmem>>) target(%dma_start3A_192 : memref<4x4096xf32, #tpu.memory_space<vmem_shared>>) target_semaphore(%arg13 : memref<!tpu.dma_semaphore, #tpu.memory_space<semaphore_mem>>)
      %ge3A_193 = arith.constant 1 : i32
      %ge3A_194 = arith.cmpi sge, %add3A_162, %ge3A_193 : i32
      %add3A_195 = arith.constant 3 : i32
      %add3A_196 = arith.addi %add3A_162, %add3A_195 : i32
      %sub3A = arith.constant 1 : i32
      %sub3A_197 = arith.subi %add3A_196, %sub3A : i32
      %lt3A_198 = arith.constant 128 : i32
      %lt3A_199 = arith.cmpi slt, %sub3A_197, %lt3A_198 : i32
      %and3A_200 = arith.andi %ge3A_194, %lt3A_199 : i1
      %convert_element_type3A_201 = arith.extui %and3A_200 : i1 to i32
      %cond3A_202 = arith.constant 0 : i32
      %cond3A_203 = arith.cmpi ne, %convert_element_type3A_201, %cond3A_202 : i32
      scf.if %cond3A_203 {
        %add3A_316 = arith.constant 3 : i32
        %add3A_317 = arith.addi %add3A_162, %add3A_316 : i32
        %sub3A_318 = arith.constant 1 : i32
        %sub3A_319 = arith.subi %add3A_317, %sub3A_318 : i32
        %dma_start3A_320 = arith.constant 0 : i32
        %dma_start3A_321 = tpu.memref_slice %arg5[%sub3A_319, %dma_start3A_320] : memref<128x4xi32, #tpu.memory_space<vmem>> -> memref<1x4xi32, #tpu.memory_space<vmem>>
        %dma_start3A_322 = tpu.memref_squeeze %dma_start3A_321 : memref<1x4xi32, #tpu.memory_space<vmem>> -> memref<4xi32, #tpu.memory_space<vmem>>
        %dma_start3A_323 = arith.constant 0 : i32
        %dma_start3A_324 = arith.constant 0 : i32
        %dma_start3A_325 = tpu.memref_slice %arg3[%dma_start3A_323, %dma_start3A_324] : memref<32000x4096xf32, #tpu.memory_space<hbm>> -> memref<32000x4096xf32, #tpu.memory_space<hbm>>
        tpu.enqueue_indirect_dma source(%dma_start3A_325 : memref<32000x4096xf32, #tpu.memory_space<hbm>>) target(%arg8 : memref<4x4096xf32, #tpu.memory_space<vmem>>) offsets(%dma_start3A_322 : memref<4xi32, #tpu.memory_space<vmem>>) semaphore(%arg12 : memref<!tpu.dma_semaphore, #tpu.memory_space<semaphore_mem>>)
      } else {
      }
      %mul3A_204 = arith.constant 3 : i32
      %mul3A_205 = arith.muli %scan3A_158, %mul3A_204 : i32
      %add3A_206 = arith.constant 1 : i32
      %add3A_207 = arith.addi %mul3A_205, %add3A_206 : i32
      %dma_wait3A_208 = arith.constant 0 : i32
      %dma_wait3A_209 = tpu.memref_slice %arg5[%add3A_207, %dma_wait3A_208] : memref<128x4xi32, #tpu.memory_space<vmem>> -> memref<1x4xi32, #tpu.memory_space<vmem>>
      %dma_wait3A_210 = tpu.memref_squeeze %dma_wait3A_209 : memref<1x4xi32, #tpu.memory_space<vmem>> -> memref<4xi32, #tpu.memory_space<vmem>>
      %dma_wait3A_211 = arith.constant 0 : i32
      %dma_wait3A_212 = arith.constant 0 : i32
      %dma_wait3A_213 = tpu.memref_slice %arg3[%dma_wait3A_211, %dma_wait3A_212] : memref<32000x4096xf32, #tpu.memory_space<hbm>> -> memref<32000x4096xf32, #tpu.memory_space<hbm>>
      tpu.wait_indirect_dma semaphore(%arg11 : memref<!tpu.dma_semaphore, #tpu.memory_space<semaphore_mem>>) src(%dma_wait3A_213 : memref<32000x4096xf32, #tpu.memory_space<hbm>>) dst(%arg7 : memref<4x4096xf32, #tpu.memory_space<vmem>>)
      %ge3A_214 = arith.constant 1 : i32
      %ge3A_215 = arith.cmpi sge, %add3A_207, %ge3A_214 : i32
      %convert_element_type3A_216 = arith.extui %ge3A_215 : i1 to i32
      %cond3A_217 = arith.constant 0 : i32
      %cond3A_218 = arith.cmpi ne, %convert_element_type3A_216, %cond3A_217 : i32
      scf.if %cond3A_218 {
        %sub3A_316 = arith.constant 1 : i32
        %sub3A_317 = arith.subi %add3A_207, %sub3A_316 : i32
        %jit3A_318 = arith.constant 3 : i32
        %eq3A_319 = arith.constant 0 : i32
        %eq3A_320 = arith.cmpi eq, %jit3A_318, %eq3A_319 : i32
        %jit3A_321 = arith.constant 1 : i32
        %select_n3A_322 = arith.select %eq3A_320, %jit3A_321, %jit3A_318 : i32
        %rem3A_323 = arith.remsi %sub3A_317, %select_n3A_322 : i32
        %ne3A_324 = arith.constant 0 : i32
        %ne3A_325 = arith.cmpi ne, %rem3A_323, %ne3A_324 : i32
        %lt3A_326 = arith.constant 0 : i32
        %lt3A_327 = arith.cmpi slt, %rem3A_323, %lt3A_326 : i32
        %lt3A_328 = arith.constant 0 : i32
        %lt3A_329 = arith.cmpi slt, %select_n3A_322, %lt3A_328 : i32
        %ne3A_330 = arith.xori %lt3A_327, %lt3A_329 : i1
        %and3A_331 = arith.andi %ne3A_330, %ne3A_325 : i1
        %add3A_332 = arith.addi %rem3A_323, %select_n3A_322 : i32
        %select_n3A_333 = arith.select %and3A_331, %add3A_332, %rem3A_323 : i32
        %dma_wait3A_334 = arith.constant 0 : i32
        %dma_wait3A_335 = arith.constant 0 : i32
        %dma_wait3A_336 = tpu.memref_slice %arg9[%arg1, %select_n3A_333, %dma_wait3A_334, %dma_wait3A_335] : memref<16x3x4x4096xf32, #tpu.memory_space<vmem_shared>> -> memref<1x1x4x4096xf32, #tpu.memory_space<vmem_shared>>
        %dma_wait3A_337 = tpu.memref_squeeze %dma_wait3A_336 : memref<1x1x4x4096xf32, #tpu.memory_space<vmem_shared>> -> memref<4x4096xf32, #tpu.memory_space<vmem_shared>>
        %dma_wait3A_338 = arith.constant 0 : i32
        %dma_wait3A_339 = arith.constant 0 : i32
        %dma_wait3A_340 = tpu.memref_slice %arg9[%arg1, %select_n3A_333, %dma_wait3A_338, %dma_wait3A_339] : memref<16x3x4x4096xf32, #tpu.memory_space<vmem_shared>> -> memref<1x1x4x4096xf32, #tpu.memory_space<vmem_shared>>
        %dma_wait3A_341 = tpu.memref_squeeze %dma_wait3A_340 : memref<1x1x4x4096xf32, #tpu.memory_space<vmem_shared>> -> memref<4x4096xf32, #tpu.memory_space<vmem_shared>>
        tpu.wait_dma2 semaphore(%arg13 : memref<!tpu.dma_semaphore, #tpu.memory_space<semaphore_mem>>) src(%arg6 : memref<4x4096xf32, #tpu.memory_space<vmem>>) dst(%dma_wait3A_341 : memref<4x4096xf32, #tpu.memory_space<vmem_shared>>)
        %sub3A_342 = arith.constant 1 : i32
        %sub3A_343 = arith.subi %add3A_207, %sub3A_342 : i32
        %jit3A_344 = arith.constant 3 : i32
        %eq3A_345 = arith.constant 0 : i32
        %eq3A_346 = arith.cmpi eq, %jit3A_344, %eq3A_345 : i32
        %jit3A_347 = arith.constant 1 : i32
        %select_n3A_348 = arith.select %eq3A_346, %jit3A_347, %jit3A_344 : i32
        %rem3A_349 = arith.remsi %sub3A_343, %select_n3A_348 : i32
        %ne3A_350 = arith.constant 0 : i32
        %ne3A_351 = arith.cmpi ne, %rem3A_349, %ne3A_350 : i32
        %lt3A_352 = arith.constant 0 : i32
        %lt3A_353 = arith.cmpi slt, %rem3A_349, %lt3A_352 : i32
        %lt3A_354 = arith.constant 0 : i32
        %lt3A_355 = arith.cmpi slt, %select_n3A_348, %lt3A_354 : i32
        %ne3A_356 = arith.xori %lt3A_353, %lt3A_355 : i1
        %and3A_357 = arith.andi %ne3A_356, %ne3A_351 : i1
        %add3A_358 = arith.addi %rem3A_349, %select_n3A_348 : i32
        %select_n3A_359 = arith.select %and3A_357, %add3A_358, %rem3A_349 : i32
        %mul3A_360 = arith.constant 4 : i32
        %mul3A_361 = arith.muli %sub3A_343, %mul3A_360 : i32
        %add3A_362 = arith.addi %mul3A_2, %mul3A_361 : i32
        %dma_start3A_363 = arith.constant 0 : i32
        %dma_start3A_364 = tpu.memref_slice %arg4[%add3A_362, %dma_start3A_363] : memref<16384x4096xf32, #tpu.memory_space<hbm>> -> memref<4x4096xf32, #tpu.memory_space<hbm>>
        %dma_start3A_365 = arith.constant 0 : i32
        %dma_start3A_366 = arith.constant 0 : i32
        %dma_start3A_367 = tpu.memref_slice %arg9[%arg1, %select_n3A_359, %dma_start3A_365, %dma_start3A_366] : memref<16x3x4x4096xf32, #tpu.memory_space<vmem_shared>> -> memref<1x1x4x4096xf32, #tpu.memory_space<vmem_shared>>
        %dma_start3A_368 = tpu.memref_squeeze %dma_start3A_367 : memref<1x1x4x4096xf32, #tpu.memory_space<vmem_shared>> -> memref<4x4096xf32, #tpu.memory_space<vmem_shared>>
        tpu.enqueue_dma source(%dma_start3A_368 : memref<4x4096xf32, #tpu.memory_space<vmem_shared>>) target(%dma_start3A_364 : memref<4x4096xf32, #tpu.memory_space<hbm>>) target_semaphore(%arg16 : memref<!tpu.dma_semaphore, #tpu.memory_space<semaphore_mem>>)
      } else {
      }
      %ge3A_219 = arith.constant 3 : i32
      %ge3A_220 = arith.cmpi sge, %add3A_207, %ge3A_219 : i32
      %convert_element_type3A_221 = arith.extui %ge3A_220 : i1 to i32
      %cond3A_222 = arith.constant 0 : i32
      %cond3A_223 = arith.cmpi ne, %convert_element_type3A_221, %cond3A_222 : i32
      scf.if %cond3A_223 {
        %sub3A_316 = arith.constant 3 : i32
        %sub3A_317 = arith.subi %add3A_207, %sub3A_316 : i32
        %jit3A_318 = arith.constant 3 : i32
        %eq3A_319 = arith.constant 0 : i32
        %eq3A_320 = arith.cmpi eq, %jit3A_318, %eq3A_319 : i32
        %jit3A_321 = arith.constant 1 : i32
        %select_n3A_322 = arith.select %eq3A_320, %jit3A_321, %jit3A_318 : i32
        %rem3A_323 = arith.remsi %sub3A_317, %select_n3A_322 : i32
        %ne3A_324 = arith.constant 0 : i32
        %ne3A_325 = arith.cmpi ne, %rem3A_323, %ne3A_324 : i32
        %lt3A_326 = arith.constant 0 : i32
        %lt3A_327 = arith.cmpi slt, %rem3A_323, %lt3A_326 : i32
        %lt3A_328 = arith.constant 0 : i32
        %lt3A_329 = arith.cmpi slt, %select_n3A_322, %lt3A_328 : i32
        %ne3A_330 = arith.xori %lt3A_327, %lt3A_329 : i1
        %and3A_331 = arith.andi %ne3A_330, %ne3A_325 : i1
        %add3A_332 = arith.addi %rem3A_323, %select_n3A_322 : i32
        %select_n3A_333 = arith.select %and3A_331, %add3A_332, %rem3A_323 : i32
        %mul3A_334 = arith.constant 4 : i32
        %mul3A_335 = arith.muli %sub3A_317, %mul3A_334 : i32
        %add3A_336 = arith.addi %mul3A_2, %mul3A_335 : i32
        %dma_wait3A_337 = arith.constant 0 : i32
        %dma_wait3A_338 = tpu.memref_slice %arg4[%add3A_336, %dma_wait3A_337] : memref<16384x4096xf32, #tpu.memory_space<hbm>> -> memref<4x4096xf32, #tpu.memory_space<hbm>>
        %dma_wait3A_339 = arith.constant 0 : i32
        %dma_wait3A_340 = arith.constant 0 : i32
        %dma_wait3A_341 = tpu.memref_slice %arg9[%arg1, %select_n3A_333, %dma_wait3A_339, %dma_wait3A_340] : memref<16x3x4x4096xf32, #tpu.memory_space<vmem_shared>> -> memref<1x1x4x4096xf32, #tpu.memory_space<vmem_shared>>
        %dma_wait3A_342 = tpu.memref_squeeze %dma_wait3A_341 : memref<1x1x4x4096xf32, #tpu.memory_space<vmem_shared>> -> memref<4x4096xf32, #tpu.memory_space<vmem_shared>>
        tpu.wait_dma2 semaphore(%arg17 : memref<!tpu.dma_semaphore, #tpu.memory_space<semaphore_mem>>) src(%dma_wait3A_342 : memref<4x4096xf32, #tpu.memory_space<vmem_shared>>) dst(%dma_wait3A_338 : memref<4x4096xf32, #tpu.memory_space<hbm>>)
      } else {
      }
      %jit3A_224 = arith.constant 3 : i32
      %eq3A_225 = arith.constant 0 : i32
      %eq3A_226 = arith.cmpi eq, %jit3A_224, %eq3A_225 : i32
      %jit3A_227 = arith.constant 1 : i32
      %select_n3A_228 = arith.select %eq3A_226, %jit3A_227, %jit3A_224 : i32
      %rem3A_229 = arith.remsi %add3A_207, %select_n3A_228 : i32
      %ne3A_230 = arith.constant 0 : i32
      %ne3A_231 = arith.cmpi ne, %rem3A_229, %ne3A_230 : i32
      %lt3A_232 = arith.constant 0 : i32
      %lt3A_233 = arith.cmpi slt, %rem3A_229, %lt3A_232 : i32
      %lt3A_234 = arith.constant 0 : i32
      %lt3A_235 = arith.cmpi slt, %select_n3A_228, %lt3A_234 : i32
      %ne3A_236 = arith.xori %lt3A_233, %lt3A_235 : i1
      %and3A_237 = arith.andi %ne3A_236, %ne3A_231 : i1
      %add3A_238 = arith.addi %rem3A_229, %select_n3A_228 : i32
      %select_n3A_239 = arith.select %and3A_237, %add3A_238, %rem3A_229 : i32
      %dma_start3A_240 = arith.constant 0 : i32
      %dma_start3A_241 = arith.constant 0 : i32
      %dma_start3A_242 = tpu.memref_slice %arg9[%arg1, %select_n3A_239, %dma_start3A_240, %dma_start3A_241] : memref<16x3x4x4096xf32, #tpu.memory_space<vmem_shared>> -> memref<1x1x4x4096xf32, #tpu.memory_space<vmem_shared>>
      %dma_start3A_243 = tpu.memref_squeeze %dma_start3A_242 : memref<1x1x4x4096xf32, #tpu.memory_space<vmem_shared>> -> memref<4x4096xf32, #tpu.memory_space<vmem_shared>>
      %dma_start3A_244 = arith.constant 0 : i32
      %dma_start3A_245 = arith.constant 0 : i32
      %dma_start3A_246 = tpu.memref_slice %arg9[%arg1, %select_n3A_239, %dma_start3A_244, %dma_start3A_245] : memref<16x3x4x4096xf32, #tpu.memory_space<vmem_shared>> -> memref<1x1x4x4096xf32, #tpu.memory_space<vmem_shared>>
      %dma_start3A_247 = tpu.memref_squeeze %dma_start3A_246 : memref<1x1x4x4096xf32, #tpu.memory_space<vmem_shared>> -> memref<4x4096xf32, #tpu.memory_space<vmem_shared>>
      tpu.enqueue_dma source(%arg7 : memref<4x4096xf32, #tpu.memory_space<vmem>>) target(%dma_start3A_247 : memref<4x4096xf32, #tpu.memory_space<vmem_shared>>) target_semaphore(%arg14 : memref<!tpu.dma_semaphore, #tpu.memory_space<semaphore_mem>>)
      %ge3A_248 = arith.constant 1 : i32
      %ge3A_249 = arith.cmpi sge, %add3A_207, %ge3A_248 : i32
      %add3A_250 = arith.constant 3 : i32
      %add3A_251 = arith.addi %add3A_207, %add3A_250 : i32
      %sub3A_252 = arith.constant 1 : i32
      %sub3A_253 = arith.subi %add3A_251, %sub3A_252 : i32
      %lt3A_254 = arith.constant 128 : i32
      %lt3A_255 = arith.cmpi slt, %sub3A_253, %lt3A_254 : i32
      %and3A_256 = arith.andi %ge3A_249, %lt3A_255 : i1
      %convert_element_type3A_257 = arith.extui %and3A_256 : i1 to i32
      %cond3A_258 = arith.constant 0 : i32
      %cond3A_259 = arith.cmpi ne, %convert_element_type3A_257, %cond3A_258 : i32
      scf.if %cond3A_259 {
        %add3A_316 = arith.constant 3 : i32
        %add3A_317 = arith.addi %add3A_207, %add3A_316 : i32
        %sub3A_318 = arith.constant 1 : i32
        %sub3A_319 = arith.subi %add3A_317, %sub3A_318 : i32
        %dma_start3A_320 = arith.constant 0 : i32
        %dma_start3A_321 = tpu.memref_slice %arg5[%sub3A_319, %dma_start3A_320] : memref<128x4xi32, #tpu.memory_space<vmem>> -> memref<1x4xi32, #tpu.memory_space<vmem>>
        %dma_start3A_322 = tpu.memref_squeeze %dma_start3A_321 : memref<1x4xi32, #tpu.memory_space<vmem>> -> memref<4xi32, #tpu.memory_space<vmem>>
        %dma_start3A_323 = arith.constant 0 : i32
        %dma_start3A_324 = arith.constant 0 : i32
        %dma_start3A_325 = tpu.memref_slice %arg3[%dma_start3A_323, %dma_start3A_324] : memref<32000x4096xf32, #tpu.memory_space<hbm>> -> memref<32000x4096xf32, #tpu.memory_space<hbm>>
        tpu.enqueue_indirect_dma source(%dma_start3A_325 : memref<32000x4096xf32, #tpu.memory_space<hbm>>) target(%arg6 : memref<4x4096xf32, #tpu.memory_space<vmem>>) offsets(%dma_start3A_322 : memref<4xi32, #tpu.memory_space<vmem>>) semaphore(%arg10 : memref<!tpu.dma_semaphore, #tpu.memory_space<semaphore_mem>>)
      } else {
      }
      %mul3A_260 = arith.constant 3 : i32
      %mul3A_261 = arith.muli %scan3A_158, %mul3A_260 : i32
      %add3A_262 = arith.constant 2 : i32
      %add3A_263 = arith.addi %mul3A_261, %add3A_262 : i32
      %dma_wait3A_264 = arith.constant 0 : i32
      %dma_wait3A_265 = tpu.memref_slice %arg5[%add3A_263, %dma_wait3A_264] : memref<128x4xi32, #tpu.memory_space<vmem>> -> memref<1x4xi32, #tpu.memory_space<vmem>>
      %dma_wait3A_266 = tpu.memref_squeeze %dma_wait3A_265 : memref<1x4xi32, #tpu.memory_space<vmem>> -> memref<4xi32, #tpu.memory_space<vmem>>
      %dma_wait3A_267 = arith.constant 0 : i32
      %dma_wait3A_268 = arith.constant 0 : i32
      %dma_wait3A_269 = tpu.memref_slice %arg3[%dma_wait3A_267, %dma_wait3A_268] : memref<32000x4096xf32, #tpu.memory_space<hbm>> -> memref<32000x4096xf32, #tpu.memory_space<hbm>>
      tpu.wait_indirect_dma semaphore(%arg12 : memref<!tpu.dma_semaphore, #tpu.memory_space<semaphore_mem>>) src(%dma_wait3A_269 : memref<32000x4096xf32, #tpu.memory_space<hbm>>) dst(%arg8 : memref<4x4096xf32, #tpu.memory_space<vmem>>)
      %ge3A_270 = arith.constant 1 : i32
      %ge3A_271 = arith.cmpi sge, %add3A_263, %ge3A_270 : i32
      %convert_element_type3A_272 = arith.extui %ge3A_271 : i1 to i32
      %cond3A_273 = arith.constant 0 : i32
      %cond3A_274 = arith.cmpi ne, %convert_element_type3A_272, %cond3A_273 : i32
      scf.if %cond3A_274 {
        %sub3A_316 = arith.constant 1 : i32
        %sub3A_317 = arith.subi %add3A_263, %sub3A_316 : i32
        %jit3A_318 = arith.constant 3 : i32
        %eq3A_319 = arith.constant 0 : i32
        %eq3A_320 = arith.cmpi eq, %jit3A_318, %eq3A_319 : i32
        %jit3A_321 = arith.constant 1 : i32
        %select_n3A_322 = arith.select %eq3A_320, %jit3A_321, %jit3A_318 : i32
        %rem3A_323 = arith.remsi %sub3A_317, %select_n3A_322 : i32
        %ne3A_324 = arith.constant 0 : i32
        %ne3A_325 = arith.cmpi ne, %rem3A_323, %ne3A_324 : i32
        %lt3A_326 = arith.constant 0 : i32
        %lt3A_327 = arith.cmpi slt, %rem3A_323, %lt3A_326 : i32
        %lt3A_328 = arith.constant 0 : i32
        %lt3A_329 = arith.cmpi slt, %select_n3A_322, %lt3A_328 : i32
        %ne3A_330 = arith.xori %lt3A_327, %lt3A_329 : i1
        %and3A_331 = arith.andi %ne3A_330, %ne3A_325 : i1
        %add3A_332 = arith.addi %rem3A_323, %select_n3A_322 : i32
        %select_n3A_333 = arith.select %and3A_331, %add3A_332, %rem3A_323 : i32
        %dma_wait3A_334 = arith.constant 0 : i32
        %dma_wait3A_335 = arith.constant 0 : i32
        %dma_wait3A_336 = tpu.memref_slice %arg9[%arg1, %select_n3A_333, %dma_wait3A_334, %dma_wait3A_335] : memref<16x3x4x4096xf32, #tpu.memory_space<vmem_shared>> -> memref<1x1x4x4096xf32, #tpu.memory_space<vmem_shared>>
        %dma_wait3A_337 = tpu.memref_squeeze %dma_wait3A_336 : memref<1x1x4x4096xf32, #tpu.memory_space<vmem_shared>> -> memref<4x4096xf32, #tpu.memory_space<vmem_shared>>
        %dma_wait3A_338 = arith.constant 0 : i32
        %dma_wait3A_339 = arith.constant 0 : i32
        %dma_wait3A_340 = tpu.memref_slice %arg9[%arg1, %select_n3A_333, %dma_wait3A_338, %dma_wait3A_339] : memref<16x3x4x4096xf32, #tpu.memory_space<vmem_shared>> -> memref<1x1x4x4096xf32, #tpu.memory_space<vmem_shared>>
        %dma_wait3A_341 = tpu.memref_squeeze %dma_wait3A_340 : memref<1x1x4x4096xf32, #tpu.memory_space<vmem_shared>> -> memref<4x4096xf32, #tpu.memory_space<vmem_shared>>
        tpu.wait_dma2 semaphore(%arg14 : memref<!tpu.dma_semaphore, #tpu.memory_space<semaphore_mem>>) src(%arg7 : memref<4x4096xf32, #tpu.memory_space<vmem>>) dst(%dma_wait3A_341 : memref<4x4096xf32, #tpu.memory_space<vmem_shared>>)
        %sub3A_342 = arith.constant 1 : i32
        %sub3A_343 = arith.subi %add3A_263, %sub3A_342 : i32
        %jit3A_344 = arith.constant 3 : i32
        %eq3A_345 = arith.constant 0 : i32
        %eq3A_346 = arith.cmpi eq, %jit3A_344, %eq3A_345 : i32
        %jit3A_347 = arith.constant 1 : i32
        %select_n3A_348 = arith.select %eq3A_346, %jit3A_347, %jit3A_344 : i32
        %rem3A_349 = arith.remsi %sub3A_343, %select_n3A_348 : i32
        %ne3A_350 = arith.constant 0 : i32
        %ne3A_351 = arith.cmpi ne, %rem3A_349, %ne3A_350 : i32
        %lt3A_352 = arith.constant 0 : i32
        %lt3A_353 = arith.cmpi slt, %rem3A_349, %lt3A_352 : i32
        %lt3A_354 = arith.constant 0 : i32
        %lt3A_355 = arith.cmpi slt, %select_n3A_348, %lt3A_354 : i32
        %ne3A_356 = arith.xori %lt3A_353, %lt3A_355 : i1
        %and3A_357 = arith.andi %ne3A_356, %ne3A_351 : i1
        %add3A_358 = arith.addi %rem3A_349, %select_n3A_348 : i32
        %select_n3A_359 = arith.select %and3A_357, %add3A_358, %rem3A_349 : i32
        %mul3A_360 = arith.constant 4 : i32
        %mul3A_361 = arith.muli %sub3A_343, %mul3A_360 : i32
        %add3A_362 = arith.addi %mul3A_2, %mul3A_361 : i32
        %dma_start3A_363 = arith.constant 0 : i32
        %dma_start3A_364 = tpu.memref_slice %arg4[%add3A_362, %dma_start3A_363] : memref<16384x4096xf32, #tpu.memory_space<hbm>> -> memref<4x4096xf32, #tpu.memory_space<hbm>>
        %dma_start3A_365 = arith.constant 0 : i32
        %dma_start3A_366 = arith.constant 0 : i32
        %dma_start3A_367 = tpu.memref_slice %arg9[%arg1, %select_n3A_359, %dma_start3A_365, %dma_start3A_366] : memref<16x3x4x4096xf32, #tpu.memory_space<vmem_shared>> -> memref<1x1x4x4096xf32, #tpu.memory_space<vmem_shared>>
        %dma_start3A_368 = tpu.memref_squeeze %dma_start3A_367 : memref<1x1x4x4096xf32, #tpu.memory_space<vmem_shared>> -> memref<4x4096xf32, #tpu.memory_space<vmem_shared>>
        tpu.enqueue_dma source(%dma_start3A_368 : memref<4x4096xf32, #tpu.memory_space<vmem_shared>>) target(%dma_start3A_364 : memref<4x4096xf32, #tpu.memory_space<hbm>>) target_semaphore(%arg17 : memref<!tpu.dma_semaphore, #tpu.memory_space<semaphore_mem>>)
      } else {
      }
      %ge3A_275 = arith.constant 3 : i32
      %ge3A_276 = arith.cmpi sge, %add3A_263, %ge3A_275 : i32
      %convert_element_type3A_277 = arith.extui %ge3A_276 : i1 to i32
      %cond3A_278 = arith.constant 0 : i32
      %cond3A_279 = arith.cmpi ne, %convert_element_type3A_277, %cond3A_278 : i32
      scf.if %cond3A_279 {
        %sub3A_316 = arith.constant 3 : i32
        %sub3A_317 = arith.subi %add3A_263, %sub3A_316 : i32
        %jit3A_318 = arith.constant 3 : i32
        %eq3A_319 = arith.constant 0 : i32
        %eq3A_320 = arith.cmpi eq, %jit3A_318, %eq3A_319 : i32
        %jit3A_321 = arith.constant 1 : i32
        %select_n3A_322 = arith.select %eq3A_320, %jit3A_321, %jit3A_318 : i32
        %rem3A_323 = arith.remsi %sub3A_317, %select_n3A_322 : i32
        %ne3A_324 = arith.constant 0 : i32
        %ne3A_325 = arith.cmpi ne, %rem3A_323, %ne3A_324 : i32
        %lt3A_326 = arith.constant 0 : i32
        %lt3A_327 = arith.cmpi slt, %rem3A_323, %lt3A_326 : i32
        %lt3A_328 = arith.constant 0 : i32
        %lt3A_329 = arith.cmpi slt, %select_n3A_322, %lt3A_328 : i32
        %ne3A_330 = arith.xori %lt3A_327, %lt3A_329 : i1
        %and3A_331 = arith.andi %ne3A_330, %ne3A_325 : i1
        %add3A_332 = arith.addi %rem3A_323, %select_n3A_322 : i32
        %select_n3A_333 = arith.select %and3A_331, %add3A_332, %rem3A_323 : i32
        %mul3A_334 = arith.constant 4 : i32
        %mul3A_335 = arith.muli %sub3A_317, %mul3A_334 : i32
        %add3A_336 = arith.addi %mul3A_2, %mul3A_335 : i32
        %dma_wait3A_337 = arith.constant 0 : i32
        %dma_wait3A_338 = tpu.memref_slice %arg4[%add3A_336, %dma_wait3A_337] : memref<16384x4096xf32, #tpu.memory_space<hbm>> -> memref<4x4096xf32, #tpu.memory_space<hbm>>
        %dma_wait3A_339 = arith.constant 0 : i32
        %dma_wait3A_340 = arith.constant 0 : i32
        %dma_wait3A_341 = tpu.memref_slice %arg9[%arg1, %select_n3A_333, %dma_wait3A_339, %dma_wait3A_340] : memref<16x3x4x4096xf32, #tpu.memory_space<vmem_shared>> -> memref<1x1x4x4096xf32, #tpu.memory_space<vmem_shared>>
        %dma_wait3A_342 = tpu.memref_squeeze %dma_wait3A_341 : memref<1x1x4x4096xf32, #tpu.memory_space<vmem_shared>> -> memref<4x4096xf32, #tpu.memory_space<vmem_shared>>
        tpu.wait_dma2 semaphore(%arg18 : memref<!tpu.dma_semaphore, #tpu.memory_space<semaphore_mem>>) src(%dma_wait3A_342 : memref<4x4096xf32, #tpu.memory_space<vmem_shared>>) dst(%dma_wait3A_338 : memref<4x4096xf32, #tpu.memory_space<hbm>>)
      } else {
      }
      %jit3A_280 = arith.constant 3 : i32
      %eq3A_281 = arith.constant 0 : i32
      %eq3A_282 = arith.cmpi eq, %jit3A_280, %eq3A_281 : i32
      %jit3A_283 = arith.constant 1 : i32
      %select_n3A_284 = arith.select %eq3A_282, %jit3A_283, %jit3A_280 : i32
      %rem3A_285 = arith.remsi %add3A_263, %select_n3A_284 : i32
      %ne3A_286 = arith.constant 0 : i32
      %ne3A_287 = arith.cmpi ne, %rem3A_285, %ne3A_286 : i32
      %lt3A_288 = arith.constant 0 : i32
      %lt3A_289 = arith.cmpi slt, %rem3A_285, %lt3A_288 : i32
      %lt3A_290 = arith.constant 0 : i32
      %lt3A_291 = arith.cmpi slt, %select_n3A_284, %lt3A_290 : i32
      %ne3A_292 = arith.xori %lt3A_289, %lt3A_291 : i1
      %and3A_293 = arith.andi %ne3A_292, %ne3A_287 : i1
      %add3A_294 = arith.addi %rem3A_285, %select_n3A_284 : i32
      %select_n3A_295 = arith.select %and3A_293, %add3A_294, %rem3A_285 : i32
      %dma_start3A_296 = arith.constant 0 : i32
      %dma_start3A_297 = arith.constant 0 : i32
      %dma_start3A_298 = tpu.memref_slice %arg9[%arg1, %select_n3A_295, %dma_start3A_296, %dma_start3A_297] : memref<16x3x4x4096xf32, #tpu.memory_space<vmem_shared>> -> memref<1x1x4x4096xf32, #tpu.memory_space<vmem_shared>>
      %dma_start3A_299 = tpu.memref_squeeze %dma_start3A_298 : memref<1x1x4x4096xf32, #tpu.memory_space<vmem_shared>> -> memref<4x4096xf32, #tpu.memory_space<vmem_shared>>
      %dma_start3A_300 = arith.constant 0 : i32
      %dma_start3A_301 = arith.constant 0 : i32
      %dma_start3A_302 = tpu.memref_slice %arg9[%arg1, %select_n3A_295, %dma_start3A_300, %dma_start3A_301] : memref<16x3x4x4096xf32, #tpu.memory_space<vmem_shared>> -> memref<1x1x4x4096xf32, #tpu.memory_space<vmem_shared>>
      %dma_start3A_303 = tpu.memref_squeeze %dma_start3A_302 : memref<1x1x4x4096xf32, #tpu.memory_space<vmem_shared>> -> memref<4x4096xf32, #tpu.memory_space<vmem_shared>>
      tpu.enqueue_dma source(%arg8 : memref<4x4096xf32, #tpu.memory_space<vmem>>) target(%dma_start3A_303 : memref<4x4096xf32, #tpu.memory_space<vmem_shared>>) target_semaphore(%arg15 : memref<!tpu.dma_semaphore, #tpu.memory_space<semaphore_mem>>)
      %ge3A_304 = arith.constant 1 : i32
      %ge3A_305 = arith.cmpi sge, %add3A_263, %ge3A_304 : i32
      %add3A_306 = arith.constant 3 : i32
      %add3A_307 = arith.addi %add3A_263, %add3A_306 : i32
      %sub3A_308 = arith.constant 1 : i32
      %sub3A_309 = arith.subi %add3A_307, %sub3A_308 : i32
      %lt3A_310 = arith.constant 128 : i32
      %lt3A_311 = arith.cmpi slt, %sub3A_309, %lt3A_310 : i32
      %and3A_312 = arith.andi %ge3A_305, %lt3A_311 : i1
      %convert_element_type3A_313 = arith.extui %and3A_312 : i1 to i32
      %cond3A_314 = arith.constant 0 : i32
      %cond3A_315 = arith.cmpi ne, %convert_element_type3A_313, %cond3A_314 : i32
      scf.if %cond3A_315 {
        %add3A_316 = arith.constant 3 : i32
        %add3A_317 = arith.addi %add3A_263, %add3A_316 : i32
        %sub3A_318 = arith.constant 1 : i32
        %sub3A_319 = arith.subi %add3A_317, %sub3A_318 : i32
        %dma_start3A_320 = arith.constant 0 : i32
        %dma_start3A_321 = tpu.memref_slice %arg5[%sub3A_319, %dma_start3A_320] : memref<128x4xi32, #tpu.memory_space<vmem>> -> memref<1x4xi32, #tpu.memory_space<vmem>>
        %dma_start3A_322 = tpu.memref_squeeze %dma_start3A_321 : memref<1x4xi32, #tpu.memory_space<vmem>> -> memref<4xi32, #tpu.memory_space<vmem>>
        %dma_start3A_323 = arith.constant 0 : i32
        %dma_start3A_324 = arith.constant 0 : i32
        %dma_start3A_325 = tpu.memref_slice %arg3[%dma_start3A_323, %dma_start3A_324] : memref<32000x4096xf32, #tpu.memory_space<hbm>> -> memref<32000x4096xf32, #tpu.memory_space<hbm>>
        tpu.enqueue_indirect_dma source(%dma_start3A_325 : memref<32000x4096xf32, #tpu.memory_space<hbm>>) target(%arg7 : memref<4x4096xf32, #tpu.memory_space<vmem>>) offsets(%dma_start3A_322 : memref<4xi32, #tpu.memory_space<vmem>>) semaphore(%arg11 : memref<!tpu.dma_semaphore, #tpu.memory_space<semaphore_mem>>)
      } else {
      }
    }
    %scan3A_27 = arith.constant 42 : i32
    %dma_wait3A = arith.constant 126 : i32
    %dma_wait3A_28 = arith.constant 0 : i32
    %dma_wait3A_29 = tpu.memref_slice %arg5[%dma_wait3A, %dma_wait3A_28] : memref<128x4xi32, #tpu.memory_space<vmem>> -> memref<1x4xi32, #tpu.memory_space<vmem>>
    %dma_wait3A_30 = tpu.memref_squeeze %dma_wait3A_29 : memref<1x4xi32, #tpu.memory_space<vmem>> -> memref<4xi32, #tpu.memory_space<vmem>>
    %dma_wait3A_31 = arith.constant 0 : i32
    %dma_wait3A_32 = arith.constant 0 : i32
    %dma_wait3A_33 = tpu.memref_slice %arg3[%dma_wait3A_31, %dma_wait3A_32] : memref<32000x4096xf32, #tpu.memory_space<hbm>> -> memref<32000x4096xf32, #tpu.memory_space<hbm>>
    tpu.wait_indirect_dma semaphore(%arg10 : memref<!tpu.dma_semaphore, #tpu.memory_space<semaphore_mem>>) src(%dma_wait3A_33 : memref<32000x4096xf32, #tpu.memory_space<hbm>>) dst(%arg6 : memref<4x4096xf32, #tpu.memory_space<vmem>>)
    %dma_wait3A_34 = arith.constant 2 : i32
    %dma_wait3A_35 = arith.constant 0 : i32
    %dma_wait3A_36 = arith.constant 0 : i32
    %dma_wait3A_37 = tpu.memref_slice %arg9[%arg1, %dma_wait3A_34, %dma_wait3A_35, %dma_wait3A_36] : memref<16x3x4x4096xf32, #tpu.memory_space<vmem_shared>> -> memref<1x1x4x4096xf32, #tpu.memory_space<vmem_shared>>
    %dma_wait3A_38 = tpu.memref_squeeze %dma_wait3A_37 : memref<1x1x4x4096xf32, #tpu.memory_space<vmem_shared>> -> memref<4x4096xf32, #tpu.memory_space<vmem_shared>>
    %dma_wait3A_39 = arith.constant 0 : i32
    %dma_wait3A_40 = arith.constant 0 : i32
    %dma_wait3A_41 = tpu.memref_slice %arg9[%arg1, %dma_wait3A_34, %dma_wait3A_39, %dma_wait3A_40] : memref<16x3x4x4096xf32, #tpu.memory_space<vmem_shared>> -> memref<1x1x4x4096xf32, #tpu.memory_space<vmem_shared>>
    %dma_wait3A_42 = tpu.memref_squeeze %dma_wait3A_41 : memref<1x1x4x4096xf32, #tpu.memory_space<vmem_shared>> -> memref<4x4096xf32, #tpu.memory_space<vmem_shared>>
    tpu.wait_dma2 semaphore(%arg15 : memref<!tpu.dma_semaphore, #tpu.memory_space<semaphore_mem>>) src(%arg8 : memref<4x4096xf32, #tpu.memory_space<vmem>>) dst(%dma_wait3A_42 : memref<4x4096xf32, #tpu.memory_space<vmem_shared>>)
    %add3A_43 = arith.constant 500 : i32
    %add3A_44 = arith.addi %mul3A_2, %add3A_43 : i32
    %dma_start3A_45 = arith.constant 2 : i32
    %dma_start3A_46 = arith.constant 0 : i32
    %dma_start3A_47 = tpu.memref_slice %arg4[%add3A_44, %dma_start3A_46] : memref<16384x4096xf32, #tpu.memory_space<hbm>> -> memref<4x4096xf32, #tpu.memory_space<hbm>>
    %dma_start3A_48 = arith.constant 0 : i32
    %dma_start3A_49 = arith.constant 0 : i32
    %dma_start3A_50 = tpu.memref_slice %arg9[%arg1, %dma_start3A_45, %dma_start3A_48, %dma_start3A_49] : memref<16x3x4x4096xf32, #tpu.memory_space<vmem_shared>> -> memref<1x1x4x4096xf32, #tpu.memory_space<vmem_shared>>
    %dma_start3A_51 = tpu.memref_squeeze %dma_start3A_50 : memref<1x1x4x4096xf32, #tpu.memory_space<vmem_shared>> -> memref<4x4096xf32, #tpu.memory_space<vmem_shared>>
    tpu.enqueue_dma source(%dma_start3A_51 : memref<4x4096xf32, #tpu.memory_space<vmem_shared>>) target(%dma_start3A_47 : memref<4x4096xf32, #tpu.memory_space<hbm>>) target_semaphore(%arg18 : memref<!tpu.dma_semaphore, #tpu.memory_space<semaphore_mem>>)
    %add3A_52 = arith.constant 492 : i32
    %add3A_53 = arith.addi %mul3A_2, %add3A_52 : i32
    %dma_wait3A_54 = arith.constant 0 : i32
    %dma_wait3A_55 = arith.constant 0 : i32
    %dma_wait3A_56 = tpu.memref_slice %arg4[%add3A_53, %dma_wait3A_55] : memref<16384x4096xf32, #tpu.memory_space<hbm>> -> memref<4x4096xf32, #tpu.memory_space<hbm>>
    %dma_wait3A_57 = arith.constant 0 : i32
    %dma_wait3A_58 = arith.constant 0 : i32
    %dma_wait3A_59 = tpu.memref_slice %arg9[%arg1, %dma_wait3A_54, %dma_wait3A_57, %dma_wait3A_58] : memref<16x3x4x4096xf32, #tpu.memory_space<vmem_shared>> -> memref<1x1x4x4096xf32, #tpu.memory_space<vmem_shared>>
    %dma_wait3A_60 = tpu.memref_squeeze %dma_wait3A_59 : memref<1x1x4x4096xf32, #tpu.memory_space<vmem_shared>> -> memref<4x4096xf32, #tpu.memory_space<vmem_shared>>
    tpu.wait_dma2 semaphore(%arg16 : memref<!tpu.dma_semaphore, #tpu.memory_space<semaphore_mem>>) src(%dma_wait3A_60 : memref<4x4096xf32, #tpu.memory_space<vmem_shared>>) dst(%dma_wait3A_56 : memref<4x4096xf32, #tpu.memory_space<hbm>>)
    %dma_start3A_61 = arith.constant 0 : i32
    %dma_start3A_62 = arith.constant 0 : i32
    %dma_start3A_63 = arith.constant 0 : i32
    %dma_start3A_64 = tpu.memref_slice %arg9[%arg1, %dma_start3A_61, %dma_start3A_62, %dma_start3A_63] : memref<16x3x4x4096xf32, #tpu.memory_space<vmem_shared>> -> memref<1x1x4x4096xf32, #tpu.memory_space<vmem_shared>>
    %dma_start3A_65 = tpu.memref_squeeze %dma_start3A_64 : memref<1x1x4x4096xf32, #tpu.memory_space<vmem_shared>> -> memref<4x4096xf32, #tpu.memory_space<vmem_shared>>
    %dma_start3A_66 = arith.constant 0 : i32
    %dma_start3A_67 = arith.constant 0 : i32
    %dma_start3A_68 = tpu.memref_slice %arg9[%arg1, %dma_start3A_61, %dma_start3A_66, %dma_start3A_67] : memref<16x3x4x4096xf32, #tpu.memory_space<vmem_shared>> -> memref<1x1x4x4096xf32, #tpu.memory_space<vmem_shared>>
    %dma_start3A_69 = tpu.memref_squeeze %dma_start3A_68 : memref<1x1x4x4096xf32, #tpu.memory_space<vmem_shared>> -> memref<4x4096xf32, #tpu.memory_space<vmem_shared>>
    tpu.enqueue_dma source(%arg6 : memref<4x4096xf32, #tpu.memory_space<vmem>>) target(%dma_start3A_69 : memref<4x4096xf32, #tpu.memory_space<vmem_shared>>) target_semaphore(%arg13 : memref<!tpu.dma_semaphore, #tpu.memory_space<semaphore_mem>>)
    %dma_wait3A_70 = arith.constant 127 : i32
    %dma_wait3A_71 = arith.constant 0 : i32
    %dma_wait3A_72 = tpu.memref_slice %arg5[%dma_wait3A_70, %dma_wait3A_71] : memref<128x4xi32, #tpu.memory_space<vmem>> -> memref<1x4xi32, #tpu.memory_space<vmem>>
    %dma_wait3A_73 = tpu.memref_squeeze %dma_wait3A_72 : memref<1x4xi32, #tpu.memory_space<vmem>> -> memref<4xi32, #tpu.memory_space<vmem>>
    %dma_wait3A_74 = arith.constant 0 : i32
    %dma_wait3A_75 = arith.constant 0 : i32
    %dma_wait3A_76 = tpu.memref_slice %arg3[%dma_wait3A_74, %dma_wait3A_75] : memref<32000x4096xf32, #tpu.memory_space<hbm>> -> memref<32000x4096xf32, #tpu.memory_space<hbm>>
    tpu.wait_indirect_dma semaphore(%arg11 : memref<!tpu.dma_semaphore, #tpu.memory_space<semaphore_mem>>) src(%dma_wait3A_76 : memref<32000x4096xf32, #tpu.memory_space<hbm>>) dst(%arg7 : memref<4x4096xf32, #tpu.memory_space<vmem>>)
    %dma_wait3A_77 = arith.constant 0 : i32
    %dma_wait3A_78 = arith.constant 0 : i32
    %dma_wait3A_79 = arith.constant 0 : i32
    %dma_wait3A_80 = tpu.memref_slice %arg9[%arg1, %dma_wait3A_77, %dma_wait3A_78, %dma_wait3A_79] : memref<16x3x4x4096xf32, #tpu.memory_space<vmem_shared>> -> memref<1x1x4x4096xf32, #tpu.memory_space<vmem_shared>>
    %dma_wait3A_81 = tpu.memref_squeeze %dma_wait3A_80 : memref<1x1x4x4096xf32, #tpu.memory_space<vmem_shared>> -> memref<4x4096xf32, #tpu.memory_space<vmem_shared>>
    %dma_wait3A_82 = arith.constant 0 : i32
    %dma_wait3A_83 = arith.constant 0 : i32
    %dma_wait3A_84 = tpu.memref_slice %arg9[%arg1, %dma_wait3A_77, %dma_wait3A_82, %dma_wait3A_83] : memref<16x3x4x4096xf32, #tpu.memory_space<vmem_shared>> -> memref<1x1x4x4096xf32, #tpu.memory_space<vmem_shared>>
    %dma_wait3A_85 = tpu.memref_squeeze %dma_wait3A_84 : memref<1x1x4x4096xf32, #tpu.memory_space<vmem_shared>> -> memref<4x4096xf32, #tpu.memory_space<vmem_shared>>
    tpu.wait_dma2 semaphore(%arg13 : memref<!tpu.dma_semaphore, #tpu.memory_space<semaphore_mem>>) src(%arg6 : memref<4x4096xf32, #tpu.memory_space<vmem>>) dst(%dma_wait3A_85 : memref<4x4096xf32, #tpu.memory_space<vmem_shared>>)
    %add3A_86 = arith.constant 504 : i32
    %add3A_87 = arith.addi %mul3A_2, %add3A_86 : i32
    %dma_start3A_88 = arith.constant 0 : i32
    %dma_start3A_89 = arith.constant 0 : i32
    %dma_start3A_90 = tpu.memref_slice %arg4[%add3A_87, %dma_start3A_89] : memref<16384x4096xf32, #tpu.memory_space<hbm>> -> memref<4x4096xf32, #tpu.memory_space<hbm>>
    %dma_start3A_91 = arith.constant 0 : i32
    %dma_start3A_92 = arith.constant 0 : i32
    %dma_start3A_93 = tpu.memref_slice %arg9[%arg1, %dma_start3A_88, %dma_start3A_91, %dma_start3A_92] : memref<16x3x4x4096xf32, #tpu.memory_space<vmem_shared>> -> memref<1x1x4x4096xf32, #tpu.memory_space<vmem_shared>>
    %dma_start3A_94 = tpu.memref_squeeze %dma_start3A_93 : memref<1x1x4x4096xf32, #tpu.memory_space<vmem_shared>> -> memref<4x4096xf32, #tpu.memory_space<vmem_shared>>
    tpu.enqueue_dma source(%dma_start3A_94 : memref<4x4096xf32, #tpu.memory_space<vmem_shared>>) target(%dma_start3A_90 : memref<4x4096xf32, #tpu.memory_space<hbm>>) target_semaphore(%arg16 : memref<!tpu.dma_semaphore, #tpu.memory_space<semaphore_mem>>)
    %add3A_95 = arith.constant 496 : i32
    %add3A_96 = arith.addi %mul3A_2, %add3A_95 : i32
    %dma_wait3A_97 = arith.constant 1 : i32
    %dma_wait3A_98 = arith.constant 0 : i32
    %dma_wait3A_99 = tpu.memref_slice %arg4[%add3A_96, %dma_wait3A_98] : memref<16384x4096xf32, #tpu.memory_space<hbm>> -> memref<4x4096xf32, #tpu.memory_space<hbm>>
    %dma_wait3A_100 = arith.constant 0 : i32
    %dma_wait3A_101 = arith.constant 0 : i32
    %dma_wait3A_102 = tpu.memref_slice %arg9[%arg1, %dma_wait3A_97, %dma_wait3A_100, %dma_wait3A_101] : memref<16x3x4x4096xf32, #tpu.memory_space<vmem_shared>> -> memref<1x1x4x4096xf32, #tpu.memory_space<vmem_shared>>
    %dma_wait3A_103 = tpu.memref_squeeze %dma_wait3A_102 : memref<1x1x4x4096xf32, #tpu.memory_space<vmem_shared>> -> memref<4x4096xf32, #tpu.memory_space<vmem_shared>>
    tpu.wait_dma2 semaphore(%arg17 : memref<!tpu.dma_semaphore, #tpu.memory_space<semaphore_mem>>) src(%dma_wait3A_103 : memref<4x4096xf32, #tpu.memory_space<vmem_shared>>) dst(%dma_wait3A_99 : memref<4x4096xf32, #tpu.memory_space<hbm>>)
    %dma_start3A_104 = arith.constant 1 : i32
    %dma_start3A_105 = arith.constant 0 : i32
    %dma_start3A_106 = arith.constant 0 : i32
    %dma_start3A_107 = tpu.memref_slice %arg9[%arg1, %dma_start3A_104, %dma_start3A_105, %dma_start3A_106] : memref<16x3x4x4096xf32, #tpu.memory_space<vmem_shared>> -> memref<1x1x4x4096xf32, #tpu.memory_space<vmem_shared>>
    %dma_start3A_108 = tpu.memref_squeeze %dma_start3A_107 : memref<1x1x4x4096xf32, #tpu.memory_space<vmem_shared>> -> memref<4x4096xf32, #tpu.memory_space<vmem_shared>>
    %dma_start3A_109 = arith.constant 0 : i32
    %dma_start3A_110 = arith.constant 0 : i32
    %dma_start3A_111 = tpu.memref_slice %arg9[%arg1, %dma_start3A_104, %dma_start3A_109, %dma_start3A_110] : memref<16x3x4x4096xf32, #tpu.memory_space<vmem_shared>> -> memref<1x1x4x4096xf32, #tpu.memory_space<vmem_shared>>
    %dma_start3A_112 = tpu.memref_squeeze %dma_start3A_111 : memref<1x1x4x4096xf32, #tpu.memory_space<vmem_shared>> -> memref<4x4096xf32, #tpu.memory_space<vmem_shared>>
    tpu.enqueue_dma source(%arg7 : memref<4x4096xf32, #tpu.memory_space<vmem>>) target(%dma_start3A_112 : memref<4x4096xf32, #tpu.memory_space<vmem_shared>>) target_semaphore(%arg14 : memref<!tpu.dma_semaphore, #tpu.memory_space<semaphore_mem>>)
    %dma_wait3A_113 = arith.constant 1 : i32
    %dma_wait3A_114 = arith.constant 0 : i32
    %dma_wait3A_115 = arith.constant 0 : i32
    %dma_wait3A_116 = tpu.memref_slice %arg9[%arg1, %dma_wait3A_113, %dma_wait3A_114, %dma_wait3A_115] : memref<16x3x4x4096xf32, #tpu.memory_space<vmem_shared>> -> memref<1x1x4x4096xf32, #tpu.memory_space<vmem_shared>>
    %dma_wait3A_117 = tpu.memref_squeeze %dma_wait3A_116 : memref<1x1x4x4096xf32, #tpu.memory_space<vmem_shared>> -> memref<4x4096xf32, #tpu.memory_space<vmem_shared>>
    %dma_wait3A_118 = arith.constant 0 : i32
    %dma_wait3A_119 = arith.constant 0 : i32
    %dma_wait3A_120 = tpu.memref_slice %arg9[%arg1, %dma_wait3A_113, %dma_wait3A_118, %dma_wait3A_119] : memref<16x3x4x4096xf32, #tpu.memory_space<vmem_shared>> -> memref<1x1x4x4096xf32, #tpu.memory_space<vmem_shared>>
    %dma_wait3A_121 = tpu.memref_squeeze %dma_wait3A_120 : memref<1x1x4x4096xf32, #tpu.memory_space<vmem_shared>> -> memref<4x4096xf32, #tpu.memory_space<vmem_shared>>
    tpu.wait_dma2 semaphore(%arg14 : memref<!tpu.dma_semaphore, #tpu.memory_space<semaphore_mem>>) src(%arg7 : memref<4x4096xf32, #tpu.memory_space<vmem>>) dst(%dma_wait3A_121 : memref<4x4096xf32, #tpu.memory_space<vmem_shared>>)
    %add3A_122 = arith.constant 508 : i32
    %add3A_123 = arith.addi %mul3A_2, %add3A_122 : i32
    %dma_start3A_124 = arith.constant 1 : i32
    %dma_start3A_125 = arith.constant 0 : i32
    %dma_start3A_126 = tpu.memref_slice %arg4[%add3A_123, %dma_start3A_125] : memref<16384x4096xf32, #tpu.memory_space<hbm>> -> memref<4x4096xf32, #tpu.memory_space<hbm>>
    %dma_start3A_127 = arith.constant 0 : i32
    %dma_start3A_128 = arith.constant 0 : i32
    %dma_start3A_129 = tpu.memref_slice %arg9[%arg1, %dma_start3A_124, %dma_start3A_127, %dma_start3A_128] : memref<16x3x4x4096xf32, #tpu.memory_space<vmem_shared>> -> memref<1x1x4x4096xf32, #tpu.memory_space<vmem_shared>>
    %dma_start3A_130 = tpu.memref_squeeze %dma_start3A_129 : memref<1x1x4x4096xf32, #tpu.memory_space<vmem_shared>> -> memref<4x4096xf32, #tpu.memory_space<vmem_shared>>
    tpu.enqueue_dma source(%dma_start3A_130 : memref<4x4096xf32, #tpu.memory_space<vmem_shared>>) target(%dma_start3A_126 : memref<4x4096xf32, #tpu.memory_space<hbm>>) target_semaphore(%arg17 : memref<!tpu.dma_semaphore, #tpu.memory_space<semaphore_mem>>)
    %add3A_131 = arith.constant 500 : i32
    %add3A_132 = arith.addi %mul3A_2, %add3A_131 : i32
    %dma_wait3A_133 = arith.constant 2 : i32
    %dma_wait3A_134 = arith.constant 0 : i32
    %dma_wait3A_135 = tpu.memref_slice %arg4[%add3A_132, %dma_wait3A_134] : memref<16384x4096xf32, #tpu.memory_space<hbm>> -> memref<4x4096xf32, #tpu.memory_space<hbm>>
    %dma_wait3A_136 = arith.constant 0 : i32
    %dma_wait3A_137 = arith.constant 0 : i32
    %dma_wait3A_138 = tpu.memref_slice %arg9[%arg1, %dma_wait3A_133, %dma_wait3A_136, %dma_wait3A_137] : memref<16x3x4x4096xf32, #tpu.memory_space<vmem_shared>> -> memref<1x1x4x4096xf32, #tpu.memory_space<vmem_shared>>
    %dma_wait3A_139 = tpu.memref_squeeze %dma_wait3A_138 : memref<1x1x4x4096xf32, #tpu.memory_space<vmem_shared>> -> memref<4x4096xf32, #tpu.memory_space<vmem_shared>>
    tpu.wait_dma2 semaphore(%arg18 : memref<!tpu.dma_semaphore, #tpu.memory_space<semaphore_mem>>) src(%dma_wait3A_139 : memref<4x4096xf32, #tpu.memory_space<vmem_shared>>) dst(%dma_wait3A_135 : memref<4x4096xf32, #tpu.memory_space<hbm>>)
    %add3A_140 = arith.constant 504 : i32
    %add3A_141 = arith.addi %mul3A_2, %add3A_140 : i32
    %dma_wait3A_142 = arith.constant 0 : i32
    %dma_wait3A_143 = arith.constant 0 : i32
    %dma_wait3A_144 = tpu.memref_slice %arg4[%add3A_141, %dma_wait3A_143] : memref<16384x4096xf32, #tpu.memory_space<hbm>> -> memref<4x4096xf32, #tpu.memory_space<hbm>>
    %dma_wait3A_145 = arith.constant 0 : i32
    %dma_wait3A_146 = arith.constant 0 : i32
    %dma_wait3A_147 = tpu.memref_slice %arg9[%arg1, %dma_wait3A_142, %dma_wait3A_145, %dma_wait3A_146] : memref<16x3x4x4096xf32, #tpu.memory_space<vmem_shared>> -> memref<1x1x4x4096xf32, #tpu.memory_space<vmem_shared>>
    %dma_wait3A_148 = tpu.memref_squeeze %dma_wait3A_147 : memref<1x1x4x4096xf32, #tpu.memory_space<vmem_shared>> -> memref<4x4096xf32, #tpu.memory_space<vmem_shared>>
    tpu.wait_dma2 semaphore(%arg16 : memref<!tpu.dma_semaphore, #tpu.memory_space<semaphore_mem>>) src(%dma_wait3A_148 : memref<4x4096xf32, #tpu.memory_space<vmem_shared>>) dst(%dma_wait3A_144 : memref<4x4096xf32, #tpu.memory_space<hbm>>)
    %add3A_149 = arith.constant 508 : i32
    %add3A_150 = arith.addi %mul3A_2, %add3A_149 : i32
    %dma_wait3A_151 = arith.constant 1 : i32
    %dma_wait3A_152 = arith.constant 0 : i32
    %dma_wait3A_153 = tpu.memref_slice %arg4[%add3A_150, %dma_wait3A_152] : memref<16384x4096xf32, #tpu.memory_space<hbm>> -> memref<4x4096xf32, #tpu.memory_space<hbm>>
    %dma_wait3A_154 = arith.constant 0 : i32
    %dma_wait3A_155 = arith.constant 0 : i32
    %dma_wait3A_156 = tpu.memref_slice %arg9[%arg1, %dma_wait3A_151, %dma_wait3A_154, %dma_wait3A_155] : memref<16x3x4x4096xf32, #tpu.memory_space<vmem_shared>> -> memref<1x1x4x4096xf32, #tpu.memory_space<vmem_shared>>
    %dma_wait3A_157 = tpu.memref_squeeze %dma_wait3A_156 : memref<1x1x4x4096xf32, #tpu.memory_space<vmem_shared>> -> memref<4x4096xf32, #tpu.memory_space<vmem_shared>>
    tpu.wait_dma2 semaphore(%arg17 : memref<!tpu.dma_semaphore, #tpu.memory_space<semaphore_mem>>) src(%dma_wait3A_157 : memref<4x4096xf32, #tpu.memory_space<vmem_shared>>) dst(%dma_wait3A_153 : memref<4x4096xf32, #tpu.memory_space<hbm>>)
    return
  }
}

</mosaic_0001>

<sc_bundles>
// kernel: kernel.3.cloned.1.call-start
scs
__scs_entry_jumppad:
0x0: {  	(pc) =	sbr.rel $0x88, $3  }
0x1: {  	(tag) =	ssettag $0x0;
	lr =	simm.s32 $0x1  }
0x2: {  	[smem:$0x3F9F] =	sst lr;
	_ =	strace $0xD0000000  }
0x3: {  	_ = 	snop  }
0x4: {  	_ = 	snop  }
0x5: {  	_ = 	snop  }
0x6: {  	_ = 	snop  }
0x7: {  	_ = 	snop  }
__scs_overlays_trampoline_lowered:
0x8: {  	[smem:$0x3FAE] =	sst s0  }
0x9: {  	[smem:$0x3FAF] =	sst s1  }
0xa: {  	[smem:$0x3FB0] =	sst s2  }
0xb: {  	[smem:$0x3FB1] =	sst s3  }
0xc: {  	[smem:$0x3FB2] =	sst s4  }
0xd: {  	[smem:$0x3FB3] =	sst s5  }
0xe: {  	[smem:$0x3FB4] =	sst s6  }
0xf: {  	[smem:$0x3FB5] =	sst s7  }
0x10: {  	[smem:$0x3FB6] =	sst s8  }
0x11: {  	[smem:$0x3FB7] =	sst s9;
	s0 =	simm.s32 @!p0 $0x0  }
0x12: {  	s1 =	sld [smem:$0x3F9D];
	s0 =	simm.s32 @p0 $0x1  }
0x13: {  	[smem:$0x3FB8] =	sst s0;
	s0 =	simm.s32 @!p1 $0x0  }
0x14: {  	s2 =	sld [smem:$0x3F9C];
	s0 =	simm.s32 @p1 $0x1  }
0x15: {  	[smem:$0x3FB9] =	sst s0;
	s0 =	simm.s32 @!p2 $0x0  }
0x16: {  	s3 =	sld [smem:$0x3FDB];
	s0 =	simm.s32 @p2 $0x1  }
0x17: {  	s4 =	simm.s32 $0x1BF5;
	[smem:$0x3FBB] =	sst s0  }
0x18: {  	s0 =	sld [smem:$0x3F9E];
	_ =	swait.ge [sflag:s4], $0x0  }
0x19: {  	s7 =	sld [smem:$0x3F9F]  }
0x1a: {  	s8 =	sadd.s32 $0xFFFFE003, lr  }
0x1b: {  	s9 =	sadd.s32 $0xFFFFFEF7, lr;
	s5 =	simm.s32 $0xFFFFFFFF;
	p2 =	slt.u32 s8, $0xFFFFF086  }
0x1c: {  	p1 =	slt.u32 s9, $0xF7A;
	s5 =	simm.s32 @!p2 $0x0  }
0x1d: {  	s5 =	simm.s32 @p1 $0x1;
	p0 =	seq.s32 s7, s2  }
0x1e: {  	s7 =	smul.u32 @!p0 $0xF7A, s2;
	p2 =	seq.s32 @!p0 s5, $0x0  }
0x1f: {  	s9 =	smul.u32 $0xF7A, s1;
	s8 =	simm.s32 @!p0 $0x1BF5;
	p2 =	por !p2, p0  }
0x20: {  	[sflag:s8] =	ssyncset.s32 @!p0 $0xFFFFF086;
	s6 =	sadd.s32 @!p0 s3, s7;
	s7 =	simm.s32 @!p0 $0x108  }
0x21: {  	s3 =	sadd.s32 s3, s9;
	s6 =	sadd.s32 @!p0 $0x88, s6;
	s7 =	simm.s32 @p2 $0x1082  }
0x22: {  	[simem:s7], [sflag:s8] =	dma.local @!p0 [hbm:s6], $0xF7A  }
0x23: {  	s9 =	sor.u32 $0xD0000000, s2;
	s6 =	simm.s32 $0x108;
	_ =	swait.ge @!p0 [sflag:s8], $0x0  }
0x24: {  	s3 =	sadd.s32 $0x88, s3;
	s6 =	simm.s32 @!p1 $0x1082;
	[sflag:s4] =	ssyncset.s32 $0xFFFFF086  }
0x25: {  	[simem:s6], [sflag:s4] =	dma.local [hbm:s3], $0xF7A  }
0x26: {  	[smem:$0x3F9F] =	sst s1;
	(tag) =	ssettag s2;
	_ =	strace s9  }
0x27: {  	s1 =	sld [smem:$0x3FAF]  }
0x28: {  	s2 =	sld [smem:$0x3FB0]  }
0x29: {  	s4 =	sld [smem:$0x3FB2]  }
0x2a: {  	p0 =	seq.s32 s5, $0x0;
	s5 =	sld [smem:$0x3FB3]  }
0x2b: {  	s6 =	sld [smem:$0x3FB4]  }
0x2c: {  	s7 =	sld [smem:$0x3FB5]  }
0x2d: {  	s3 =	simm.s32 $0x108;
	s8 =	sld [smem:$0x3FB6]  }
0x2e: {  	s3 =	simm.s32 @!p0 $0x1082;
	s9 =	sld [smem:$0x3FB7]  }
0x2f: {  	lr =	sadd.s32 s0, s3;
	s0 =	sld [smem:$0x3FAE]  }
0x30: {  	s3 =	sld [smem:$0x3FB1]  }
0x31: {  	[smem:$0x3FBA] =	sst s10  }
0x32: {  	s10 =	sld [smem:$0x3FB8];
	_ =	sdelay $0x3  }
0x33: {  	p0 =	seq.s32 s10, $0x1;
	s10 =	sld [smem:$0x3FBA];
	_ =	sdelay $0x3  }
0x34: {  	[smem:$0x3FBA] =	sst s10  }
0x35: {  	s10 =	sld [smem:$0x3FB9];
	_ =	sdelay $0x3  }
0x36: {  	p1 =	seq.s32 s10, $0x1;
	s10 =	sld [smem:$0x3FBA];
	_ =	sdelay $0x3  }
0x37: {  	[smem:$0x3FBA] =	sst s10  }
0x38: {  	s10 =	sld [smem:$0x3FBB]  }
0x39: {  	_ = 	snop;
	(pc) =	sbr.ind lr, $3  }
0x3a: {  	_ = 	snop  }
0x3b: {  	_ = 	snop  }
0x3c: {  	p2 =	seq.s32 s10, $0x1;
	s10 =	sld [smem:$0x3FBA]  }
0x3d: {  	_ =	shalt  }
0x3e: {  	_ =	shalt  }
0x3f: {  	_ =	shalt  }
0x40: {  	_ =	shalt  }
0x41: {  	_ =	shalt  }
0x42: {  	_ =	shalt  }
0x43: {  	_ =	shalt  }
0x44: {  	_ =	shalt  }
0x45: {  	_ =	shalt  }
0x46: {  	_ =	shalt  }
0x47: {  	_ =	shalt  }
0x48: {  	_ =	shalt  }
0x49: {  	_ =	shalt  }
0x4a: {  	_ =	shalt  }
0x4b: {  	_ =	shalt  }
0x4c: {  	_ =	shalt  }
0x4d: {  	_ =	shalt  }
0x4e: {  	_ =	shalt  }
0x4f: {  	_ =	shalt  }
0x50: {  	_ =	shalt  }
0x51: {  	_ =	shalt  }
0x52: {  	_ =	shalt  }
0x53: {  	_ =	shalt  }
0x54: {  	_ =	shalt  }
0x55: {  	_ =	shalt  }
0x56: {  	_ =	shalt  }
0x57: {  	_ =	shalt  }
0x58: {  	_ =	shalt  }
0x59: {  	_ =	shalt  }
0x5a: {  	_ =	shalt  }
0x5b: {  	_ =	shalt  }
0x5c: {  	_ =	shalt  }
0x5d: {  	_ =	shalt  }
0x5e: {  	_ =	shalt  }
0x5f: {  	_ =	shalt  }
0x60: {  	_ =	shalt  }
0x61: {  	_ =	shalt  }
0x62: {  	_ =	shalt  }
0x63: {  	_ =	shalt  }
0x64: {  	_ =	shalt  }
0x65: {  	_ =	shalt  }
0x66: {  	_ =	shalt  }
0x67: {  	_ =	shalt  }
0x68: {  	_ =	shalt  }
0x69: {  	_ =	shalt  }
0x6a: {  	_ =	shalt  }
0x6b: {  	_ =	shalt  }
0x6c: {  	_ =	shalt  }
0x6d: {  	_ =	shalt  }
0x6e: {  	_ =	shalt  }
0x6f: {  	_ =	shalt  }
0x70: {  	_ =	shalt  }
0x71: {  	_ =	shalt  }
0x72: {  	_ =	shalt  }
0x73: {  	_ =	shalt  }
0x74: {  	_ =	shalt  }
0x75: {  	_ =	shalt  }
0x76: {  	_ =	shalt  }
0x77: {  	_ =	shalt  }
0x78: {  	_ =	shalt  }
0x79: {  	_ =	shalt  }
0x7a: {  	_ =	shalt  }
0x7b: {  	_ =	shalt  }
0x7c: {  	_ =	shalt  }
0x7d: {  	_ =	shalt  }
0x7e: {  	_ =	shalt  }
0x7f: {  	_ =	shalt  }
0x80: {  	_ =	shalt  }
0x81: {  	_ =	shalt  }
0x82: {  	_ =	shalt  }
0x83: {  	_ =	shalt  }
0x84: {  	_ =	shalt  }
0x85: {  	_ =	shalt  }
0x86: {  	_ =	shalt  }
0x87: {  	_ =	shalt  }
.Lfunc_end0:
.L_simem_size_0:
called_computation_lowered:
.L_overlay_start_0:
0x88: {  	s2 =	sld [smem:$0x3FD9]  }
0x89: {  	s3 =	sld [smem:$0x3FFE];
	_ =	sdelay $0x1  }
0x8a: {  	s1 =	srdreg.scid  }
0x8b: {  	s0 =	sand.u32 $0x1, s1  }
0x8c: {  	s17 =	sshll.u32 s0, $0xA;
	s2 =	sadd.s32 s3, s2  }
0x8d: {  	s2 =	sadd.s32 s2, s17  }
0x8e: {  	[smem:$0x3FC6] =	sst s2  }
0x8f: {  	_ = 	snop  }
0x90: {  	s2 =	sld [smem:$0x3FC8]  }
0x91: {  	s18 =	sld [smem:$0x3FD0];
	(tm) =	ssettm $0x1  }
0x92: {  	s4 =	sld [smem:$0x3FFB];
	_ =	sdelay $0x3  }
0x93: {  	_ =	strace s4  }
0x94: {  	s4 =	sld [smem:$0x3FFC];
	_ =	sdelay $0x3  }
0x95: {  	_ =	strace s4  }
0x96: {  	s4 =	sld [smem:$0x3FFD];
	_ =	sdelay $0x3  }
0x97: {  	_ =	strace s4  }
0x98: {  	_ =	strace $0x8FFFFFFF  }
0x99: {  	s19 =	sld [smem:$0x3FDB];
	_ =	sdelay $0x1  }
0x9a: {  	s5 =	simm.s32 $_scs_section_size  }
0x9b: {  	s6 =	simm.s32 $_size__tile_overlayer_lowered;
	s7 =	simm.s32 $_tile_overlayer_lowered  }
0x9c: {  	s22 =	simm.s32 $0x1BFF;
	s21 =	sshll.u32 s7, $0x1;
	s4 =	sadd.s32 s5, s19  }
0x9d: {  	s8 =	simm.s32 $0x0;
	s20 =	sshll.u32 s6, $0x1;
	s6 =	sadd.s32 s21, s4  }
0x9e: {  	[timem:s8], [sflag:s22] =	dma.local [hbm:s6], s20  }
0x9f: {  	_ =	swait.ge [sflag:s22], s20  }
0xa0: {  	s5 =	ssub.s32 $0x0, s20;
	[sflag:s22] =	ssyncset.done $0x0  }
0xa1: {  	[sflag:s22] =	ssyncadd.s32 s5;
	_ =	sdelay $0x1  }
0xa2: {  	s23 =	simm.s32 $0x1B8B  }
0xa3: {  	_ =	swait.ge [sflag:s23], $0x1  }
0xa4: {  	[sflag:s23] =	ssyncset.done $0x0  }
0xa5: {  	s25 =	simm.s32 $0x1B8E;
	s24 =	sld [smem:$0x3FFE];
	[sflag:s23] =	ssyncadd.s32 $0xFFFFFFFF  }
0xa6: {  	s26 =	simm.s32 $execute0_lowered;
	[smem:$0x3FD2] =	sst s25  }
0xa7: {  	s6 =	sshll.u32 s26, $0x1;
	_ =	strace $0x80000046;
	[dreg:$0x1] =	wrdreg $0xFFFFFFFF  }
0xa8: {  	s28 =	simm.s32 $_size_execute0_lowered;
	s4 =	sadd.s32 s4, s6;
	[dreg:$0x0] =	wrdreg $0x0  }
0xa9: {  	s6 =	sshll.u32 s28, $0x1;
	[dreg:$0x2] =	wrdreg s4  }
0xaa: {  	[dreg:$0x3] =	wrdreg s6  }
0xab: {  	[dreg:$0x4] =	wrdreg $0xC0  }
0xac: {  	_ =	task [dreg:s8], $0x5FFFF  }
0xad: {  	[dreg:$0x1] =	wrdreg $0xFFFFFFFF  }
0xae: {  	[dreg:$0x0] =	wrdreg $0x60  }
0xaf: {  	[dreg:$0x2] =	wrdreg s24  }
0xb0: {  	[dreg:$0x3] =	wrdreg s2  }
0xb1: {  	[dreg:$0x4] =	wrdreg s18  }
0xb2: {  	[dreg:$0x5] =	wrdreg $0x100000  }
0xb3: {  	[dreg:$0x6] =	wrdreg $0x9  }
0xb4: {  	_ =	task.clear_ibuf [dreg:s8], $0x7FFFF;
	_ =	strace $0x90000046  }
0xb5: {  	s29 =	simm.s32 $0x9;
	_ =	strace $0x80000048  }
0xb6: {  	_ =	swait.ge [sflag:s29], $0x1  }
0xb7: {  	[sflag:s29] =	ssyncadd.s32 $0xFFFFFFFF  }
0xb8: {  	_ =	strace $0x90000048  }
0xb9: {  	_ =	sfence  }
0xba: {  	s30 =	sld [smem:$0x0];
	_ =	sdelay $0x2  }
0xbb: {  	s31 =	sshll.u32 s1, $0xD;
	s1 =	sshrl.u32 s1, $0x2  }
0xbc: {  	s3 =	sand.u32 $0x4000, s31;
	s1 =	sadd.s32 s1, s30  }
0xbd: {  	s0 =	sor.u32 s3, s0;
	s1 =	sshll.u32 s1, $0x11  }
0xbe: {  	s0 =	sor.u32 s1, s0  }
0xbf: {  	s0 =	sadd.s32 $0x8F2B, s0  }
0xc0: {  	[sflag:s0] =	ssyncadd.remote.s32 $0x1  }
0xc1: {  	_ =	sfence.sel $0xFFFF  }
0xc2: {  	[dreg:$0x0] =	wrdreg $0xFFFFFFFF;
	(pc) =	sbr.abs _section_cstart, $3  }
0xc3: {  	[dreg:$0x1] =	wrdreg $0xFFFFFFFF  }
0xc4: {  	_ =	task.clear_ibuf [dreg:s8], $0x2FFFF;
	_ =	strace $0x9FFFFFFF  }
0xc5: {  	(tm) =	ssettm $0x7FFFFFFF  }
tec
execute0_lowered:
.L_overlay_start_1:
0x0: {  	(tag) =	ssettag $0x1  }
0x1: {  	s0 =	rddreg [dreg:$0x0]  }
0x2: {  	s31 =	rddreg [dreg:$0x1]  }
0x3: {  	s29 =	rddreg [dreg:$0x2]  }
0x4: {  	s2 =	srdreg.scid;
	s30 =	stileid.u32  }
0x5: {  	s5 =	rddreg [dreg:$0x3];
	s16 =	simm.s32 $0x6000;
	s28 =	simm.s32 $0x4  }
0x6: {  	s2 =	sand.u32 $0x1, s2;
	s4 =	sshll.u32 s30, $0x1;
	s18 =	smul.u32 $0x30000, s30  }
0x7: {  	s8 =	sadd.s32 $0x600, s31;
	s9 =	sadd.s32 $0x800, s31;
	s10 =	sadd.s32 $0xA00, s31  }
0x8: {  	s11 =	sadd.s32 $0xC00, s31;
	s21 =	sshll.u32 s30, $0x13;
	s23 =	sshll.u32 s30, $0x16  }
0x9: {  	s12 =	sor.u32 s2, s4;
	s4 =	simm.s32 $0x0;
	s7 =	ssub.s32 $0x2, s2  }
0xa: {  	s22 =	sshll.u32 s2, $0x12;
	s2 =	sshll.u32 s2, $0x15;
	s6 =	sshll.u32 s12, $0xB  }
0xb: {  	[smem:$0x7FF] =	sst s4;
	s17 =	sshrl.u32 s7, $0x1;
	s15 =	sshll.u32 s12, $0x12  }
0xc: {  	s12 =	sadd.s32 $0xE00, s31;
	s25 =	sor.u32 s2, s23;
	s23 =	simm.s32 $0xA000  }
0xd: {  	s0 =	sadd.s32 s6, s0;
	_ =	strace $0x80000047;
	s14 =	ssub.s32 s7, s17  }
0xe: {  	s6 =	sadd.s32 $0x200, s31;
	s19 =	sadd.s32 s15, s29;
	s0 =	sadd.s32 $0x400, s0  }
0xf: {  	s7 =	sadd.s32 $0x400, s31;
	s3 =	sadd.s32 $0x3E040, s19;
	[dreg:$0x5] =	wrdreg s0  }
0x10: {  	s15 =	simm.s32 $0x5800;
	s20 =	sadd.s32 $0x3F000, s19;
	[dreg:$0x6] =	wrdreg s3  }
0x11: {  	s24 =	smax.u32 s14, $0x1;
	s14 =	simm.s32 $0x5000;
	[dreg:$0x7] =	wrdreg s20  }
0x12: {  	s0 =	sshrl.u32 s18, $0x2;
	[dreg:$0x9] =	wrdreg s24;
	s18 =	simm.s32 $0x6800  }
0x13: {  	s20 =	simm.s32 $0x7800;
	s3 =	simm.s32 $0x8000;
	s24 =	simm.s32 $0xA800  }
0x14: {  	s13 =	sadd.s32 s0, s5;
	s0 =	sadd.s32 $0x3F040, s19;
	s5 =	simm.s32 $0x4800  }
0x15: {  	s19 =	simm.s32 $0x7000;
	[dreg:$0x8] =	wrdreg s0;
	s0 =	sor.u32 s22, s21  }
0x16: {  	s1 =	sadd.s32 $0x8000, s13;
	s26 =	sadd.s32 $0xFFFFC000, s13;
	[dreg:$0xa] =	wrdreg s0  }
0x17: {  	v0 =	vlaneseq.u32;
	s17 =	sadd.s32 $0x4000, s13;
	s21 =	simm.s32 $0x9000;
	[dreg:$0xc] =	wrdreg s26  }
0x18: {  	v1 =	vshrl.u32 v0, $0x2;
	s22 =	simm.s32 $0x9800;
	s0 =	sadd.s32 $0xFFFFC000, s25;
	[dreg:$0xe] =	wrdreg s1  }
0x19: {  	vm0 =	vmmov $0xffff;
	v0 =	vand.u32 $0x3, v0;
	v1 =	vmul.u32 $0x8, v1;
	s25 =	simm.s32 $0x8800;
	s26 =	simm.s32 $0x0;
	[dreg:$0xb] =	wrdreg s0  }
.LBB2_1:
0x1a: {  	[dreg:$0xd] =	wrdreg s26  }
0x1b: {  	s0 =	rddreg [dreg:$0x5];
	s1 =	simm.s32 $0xA  }
0x1c: {  	[tilespmem:s4], [sflag:$0xA] =	stream.linear.gather [hbm4b:s0+s4], $0x4000, $0x38;
	[tilespmem:$0x1C000] =	vst v63  }
0x1d: {  	_ =	swait.ge [sflag:s1], $0x4000  }
0x1e: {  	[sflag:s1] =	ssyncset.done $0x0  }
0x1f: {  	[sflag:s1] =	ssyncadd.s32 $0xFFFFC000  }
0x20: {  	v2 =	vld.msk [tilespmem:$0x0], $0xf;
	_ =	sdelay $0x4  }
0x21: {  	v3 =	vshll.u32 v2, $0x5  }
0x22: {  	v2 =	vand.u32 $0x7, v2;
	v3 =	vand.u32 $0xFFFFFF00, v3  }
0x23: {  	v2 =	vor.u32 v2, v3  }
0x24: {  	v2 =	vperm.xlane v2, v0;
	_ =	sdelay $0x1  }
0x25: {  	v2 =	vadd.s32 v1, v2;
	_ =	sdelay $0x3  }
0x26: {  	s2 =	simm.s32 $0x4000  }
0x27: {  	[tilespmem:s2], [sflag:$0x1] =	stream.indirect_vreg.gather [hbm4b:s31+s4], $0x80, v2, vm0, $0xb8;
	[tilespmem:$0x1C000] =	vst v63  }
0x28: {  	_ = 	snop  }
0x29: {  	[tilespmem:s5], [sflag:$0x1] =	stream.indirect_vreg.gather [hbm4b:s6+s4], $0x80, v2, vm0, $0xb8;
	[tilespmem:$0x1C000] =	vst v63  }
0x2a: {  	_ = 	snop  }
0x2b: {  	[tilespmem:s14], [sflag:$0x1] =	stream.indirect_vreg.gather [hbm4b:s7+s4], $0x80, v2, vm0, $0xb8;
	[tilespmem:$0x1C000] =	vst v63  }
0x2c: {  	_ = 	snop  }
0x2d: {  	[tilespmem:s15], [sflag:$0x1] =	stream.indirect_vreg.gather [hbm4b:s8+s4], $0x80, v2, vm0, $0xb8;
	[tilespmem:$0x1C000] =	vst v63  }
0x2e: {  	_ = 	snop  }
0x2f: {  	[tilespmem:s16], [sflag:$0x1] =	stream.indirect_vreg.gather [hbm4b:s9+s4], $0x80, v2, vm0, $0xb8;
	[tilespmem:$0x1C000] =	vst v63  }
0x30: {  	_ = 	snop  }
0x31: {  	[tilespmem:s18], [sflag:$0x1] =	stream.indirect_vreg.gather [hbm4b:s10+s4], $0x80, v2, vm0, $0xb8;
	[tilespmem:$0x1C000] =	vst v63  }
0x32: {  	_ = 	snop  }
0x33: {  	[tilespmem:s19], [sflag:$0x1] =	stream.indirect_vreg.gather [hbm4b:s11+s4], $0x80, v2, vm0, $0xb8;
	[tilespmem:$0x1C000] =	vst v63  }
0x34: {  	_ = 	snop  }
0x35: {  	[tilespmem:s20], [sflag:$0x1] =	stream.indirect_vreg.gather [hbm4b:s12+s4], $0x80, v2, vm0, $0xb8;
	[tilespmem:$0x1C000] =	vst v63  }
0x36: {  	v2 =	vld.msk [tilespmem:$0x80], $0xf;
	_ =	sdelay $0x4  }
0x37: {  	v3 =	vshll.u32 v2, $0x5  }
0x38: {  	v2 =	vand.u32 $0x7, v2;
	v3 =	vand.u32 $0xFFFFFF00, v3  }
0x39: {  	v2 =	vor.u32 v2, v3  }
0x3a: {  	v2 =	vperm.xlane v2, v0;
	_ =	sdelay $0x1  }
0x3b: {  	v2 =	vadd.s32 v1, v2;
	_ =	sdelay $0x4  }
0x3c: {  	[tilespmem:s3], [sflag:$0x2] =	stream.indirect_vreg.gather [hbm4b:s31+s4], $0x80, v2, vm0, $0xb8;
	[tilespmem:$0x1C000] =	vst v63  }
0x3d: {  	_ = 	snop  }
0x3e: {  	[tilespmem:s25], [sflag:$0x2] =	stream.indirect_vreg.gather [hbm4b:s6+s4], $0x80, v2, vm0, $0xb8;
	[tilespmem:$0x1C000] =	vst v63  }
0x3f: {  	_ = 	snop  }
0x40: {  	[tilespmem:s21], [sflag:$0x2] =	stream.indirect_vreg.gather [hbm4b:s7+s4], $0x80, v2, vm0, $0xb8;
	[tilespmem:$0x1C000] =	vst v63  }
0x41: {  	_ = 	snop  }
0x42: {  	[tilespmem:s22], [sflag:$0x2] =	stream.indirect_vreg.gather [hbm4b:s8+s4], $0x80, v2, vm0, $0xb8;
	[tilespmem:$0x1C000] =	vst v63  }
0x43: {  	_ = 	snop  }
0x44: {  	[tilespmem:s23], [sflag:$0x2] =	stream.indirect_vreg.gather [hbm4b:s9+s4], $0x80, v2, vm0, $0xb8;
	[tilespmem:$0x1C000] =	vst v63  }
0x45: {  	_ = 	snop  }
0x46: {  	[tilespmem:s24], [sflag:$0x2] =	stream.indirect_vreg.gather [hbm4b:s10+s4], $0x80, v2, vm0, $0xb8;
	[tilespmem:$0x1C000] =	vst v63  }
0x47: {  	s16 =	simm.s32 $0xB000  }
0x48: {  	[tilespmem:s16], [sflag:$0x2] =	stream.indirect_vreg.gather [hbm4b:s11+s4], $0x80, v2, vm0, $0xb8;
	[tilespmem:$0x1C000] =	vst v63  }
0x49: {  	s18 =	simm.s32 $0xB800  }
0x4a: {  	[tilespmem:s18], [sflag:$0x2] =	stream.indirect_vreg.gather [hbm4b:s12+s4], $0x80, v2, vm0, $0xb8;
	[tilespmem:$0x1C000] =	vst v63  }
0x4b: {  	v2 =	vld.msk [tilespmem:$0x100], $0xf;
	_ =	sdelay $0x4  }
0x4c: {  	v3 =	vshll.u32 v2, $0x5  }
0x4d: {  	v2 =	vand.u32 $0x7, v2;
	v3 =	vand.u32 $0xFFFFFF00, v3  }
0x4e: {  	v2 =	vor.u32 v2, v3  }
0x4f: {  	v2 =	vperm.xlane v2, v0;
	_ =	sdelay $0x1  }
0x50: {  	v2 =	vadd.s32 v1, v2;
	_ =	sdelay $0x3  }
0x51: {  	s19 =	simm.s32 $0xC000  }
0x52: {  	[tilespmem:s19], [sflag:$0x3] =	stream.indirect_vreg.gather [hbm4b:s31+s4], $0x80, v2, vm0, $0xb8;
	[tilespmem:$0x1C000] =	vst v63  }
0x53: {  	s20 =	simm.s32 $0xC800  }
0x54: {  	[tilespmem:s20], [sflag:$0x3] =	stream.indirect_vreg.gather [hbm4b:s6+s4], $0x80, v2, vm0, $0xb8;
	[tilespmem:$0x1C000] =	vst v63  }
0x55: {  	s21 =	simm.s32 $0xD000  }
0x56: {  	[tilespmem:s21], [sflag:$0x3] =	stream.indirect_vreg.gather [hbm4b:s7+s4], $0x80, v2, vm0, $0xb8;
	[tilespmem:$0x1C000] =	vst v63  }
0x57: {  	s22 =	simm.s32 $0xD800  }
0x58: {  	[tilespmem:s22], [sflag:$0x3] =	stream.indirect_vreg.gather [hbm4b:s8+s4], $0x80, v2, vm0, $0xb8;
	[tilespmem:$0x1C000] =	vst v63  }
0x59: {  	s23 =	simm.s32 $0xE000  }
0x5a: {  	[tilespmem:s23], [sflag:$0x3] =	stream.indirect_vreg.gather [hbm4b:s9+s4], $0x80, v2, vm0, $0xb8;
	[tilespmem:$0x1C000] =	vst v63  }
0x5b: {  	s26 =	simm.s32 $0xF800;
	s2 =	smov.u32 s17;
	s24 =	simm.s32 $0xE800  }
0x5c: {  	[tilespmem:s24], [sflag:$0x3] =	stream.indirect_vreg.gather [hbm4b:s10+s4], $0x80, v2, vm0, $0xb8;
	[tilespmem:$0x1C000] =	vst v63  }
0x5d: {  	s15 =	simm.s32 $0xFFFFFE00;
	s25 =	simm.s32 $0xF000;
	s18 =	rddreg [dreg:$0xc]  }
0x5e: {  	[tilespmem:s25], [sflag:$0x3] =	stream.indirect_vreg.gather [hbm4b:s11+s4], $0x80, v2, vm0, $0xb8;
	[tilespmem:$0x1C000] =	vst v63  }
0x5f: {  	s16 =	simm.s32 $0x40;
	s19 =	rddreg [dreg:$0xb];
	s20 =	simm.s32 $0x0  }
0x60: {  	[tilespmem:s26], [sflag:$0x3] =	stream.indirect_vreg.gather [hbm4b:s12+s4], $0x80, v2, vm0, $0xb8;
	[tilespmem:$0x1C000] =	vst v63  }
0x61: {  	s21 =	rddreg [dreg:$0xa];
	s24 =	simm.s32 $0xFFFFFFFF;
	s26 =	simm.s32 $0x1  }
.LBB2_2:
0x62: {  	s0 =	smulhi.u32 $0xAAAAAAAB, s24  }
0x63: {  	_ =	swait.ge [sflag:s26], $0x4000;
	p0 =	sne.s32 s15, $0xFFFFFE00;
	s1 =	smov.u32 s29  }
0x64: {  	[sflag:s26] =	ssyncset.done $0x0;
	s5 =	simm.s32 @p0 $0x6;
	s14 =	sand.u32 @p0 $0xFFFF8000, s19  }
0x65: {  	s22 =	sand.u32 @p0 $0x200, s15;
	s0 =	sshrl.u32 s0, $0x1;
	[sflag:s26] =	ssyncadd.s32 $0xFFFFC000  }
0x66: {  	s23 =	simm.s32 @p0 $0x80;
	s0 =	smul.u32 $0xFFFD0000, s0;
	_ =	swait.ge @p0 [sflag:s5], $0x4000  }
0x67: {  	s14 =	sor.u32 @p0 s22, s14;
	s22 =	simm.s32 @p0 $0x4;
	[sflag:s5] =	ssyncset.done @p0 $0x0  }
0x68: {  	s0 =	sshra.s32 s0, $0x2;
	[sflag:s5] =	ssyncadd.s32 @p0 $0xFFFFC000;
	s5 =	sshrl.u32 @p0 s14, $0x3  }
0x69: {  	s14 =	sshll.u32 @p0 s30, $0x6;
	s0 =	sadd.s32 s0, s18;
	s5 =	sadd.s32 @p0 s29, s5  }
0x6a: {  	s14 =	sor.u32 @p0 $0x1C09, s14;
	s29 =	simm.s32 @p0 $0x40;
	s0 =	sshrl.u32 @p0 s0, $0x3  }
0x6b: {  	[hbm:s5@s23], [sflag:s14] =	dma.strided @p0 [spmem:s0@s29], $0x800, s22, $0x10   }
0x6c: {  	s0 =	simm.s32 @p0 $0x7  }
0x6d: {  	_ =	swait.ge @p0 [sflag:s0], $0x800  }
0x6e: {  	[sflag:s0] =	ssyncset.done @p0 $0x0  }
0x6f: {  	[sflag:s0] =	ssyncadd.s32 @p0 $0xFFFFF800;
	s0 =	simm.s32 @p0 $0x4000  }
0x70: {  	[spmem:s13] =	stream.linear.scatter @p0 [tilespmem:s0], [sflag:$0x4], $0x4000, $0x38;
	[tilespmem:$0x1C000] =	vst v63  }
0x71: {  	s0 =	sshra.s32 @p0 s15, $0x2  }
0x72: {  	v2 =	vld.msk @p0 [tilespmem:s0+$0x180], $0xf;
	_ =	sdelay $0x4  }
0x73: {  	v3 =	vshll.u32 @p0 v2, $0x5  }
0x74: {  	v4 =	vlaneseq.u32 @p0;
	v2 =	vand.u32 @p0 $0x7, v2;
	v3 =	vand.u32 @p0 $0xFFFFFF00, v3  }
0x75: {  	v2 =	vor.u32 @p0 v2, v3;
	v3 =	vand.u32 @p0 $0x3, v4;
	v4 =	vshrl.u32 @p0 v4, $0x2  }
0x76: {  	v2 =	vperm.xlane @p0 v2, v3;
	v3 =	vmul.u32 @p0 $0x8, v4;
	_ =	sdelay $0x1  }
0x77: {  	v2 =	vadd.s32 @p0 v3, v2;
	_ =	sdelay $0x3  }
0x78: {  	vm1 =	vmmov @p0 $0xffff;
	s5 =	simm.s32 @p0 $0xC000;
	s0 =	simm.s32 @p0 $0x0  }
0x79: {  	[tilespmem:s5], [sflag:$0x3] =	stream.indirect_vreg.gather @p0 [hbm4b:s31+s0], $0x80, v2, vm1, $0xb8;
	[tilespmem:$0x1C000] =	vst v63  }
0x7a: {  	s5 =	simm.s32 @p0 $0xC800  }
0x7b: {  	[tilespmem:s5], [sflag:$0x3] =	stream.indirect_vreg.gather @p0 [hbm4b:s6+s0], $0x80, v2, vm1, $0xb8;
	[tilespmem:$0x1C000] =	vst v63  }
0x7c: {  	s5 =	simm.s32 @p0 $0xD000  }
0x7d: {  	[tilespmem:s5], [sflag:$0x3] =	stream.indirect_vreg.gather @p0 [hbm4b:s7+s0], $0x80, v2, vm1, $0xb8;
	[tilespmem:$0x1C000] =	vst v63  }
0x7e: {  	s5 =	simm.s32 @p0 $0xD800  }
0x7f: {  	[tilespmem:s5], [sflag:$0x3] =	stream.indirect_vreg.gather @p0 [hbm4b:s8+s0], $0x80, v2, vm1, $0xb8;
	[tilespmem:$0x1C000] =	vst v63  }
0x80: {  	s5 =	simm.s32 @p0 $0xE000  }
0x81: {  	[tilespmem:s5], [sflag:$0x3] =	stream.indirect_vreg.gather @p0 [hbm4b:s9+s0], $0x80, v2, vm1, $0xb8;
	[tilespmem:$0x1C000] =	vst v63  }
0x82: {  	s5 =	simm.s32 @p0 $0xE800  }
0x83: {  	[tilespmem:s5], [sflag:$0x3] =	stream.indirect_vreg.gather @p0 [hbm4b:s10+s0], $0x80, v2, vm1, $0xb8;
	[tilespmem:$0x1C000] =	vst v63  }
0x84: {  	s5 =	simm.s32 @p0 $0xF000  }
0x85: {  	[tilespmem:s5], [sflag:$0x3] =	stream.indirect_vreg.gather @p0 [hbm4b:s11+s0], $0x80, v2, vm1, $0xb8;
	[tilespmem:$0x1C000] =	vst v63  }
0x86: {  	s5 =	simm.s32 @p0 $0xF800  }
0x87: {  	[tilespmem:s5], [sflag:$0x3] =	stream.indirect_vreg.gather @p0 [hbm4b:s12+s0], $0x80, v2, vm1, $0xb8;
	[tilespmem:$0x1C000] =	vst v63  }
0x88: {  	s22 =	simm.s32 $0x2;
	s0 =	simm.s32 @!p0 $0x4000  }
0x89: {  	[spmem:s13] =	stream.linear.scatter @!p0 [tilespmem:s0], [sflag:$0x4], $0x4000, $0x38;
	[tilespmem:$0x1C000] =	vst v63  }
0x8a: {  	_ =	swait.ge [sflag:s22], $0x4000  }
0x8b: {  	s25 =	sand.u32 $0xFFF000, s21;
	s23 =	sand.u32 $0x40, s20;
	[sflag:s22] =	ssyncset.done $0x0  }
0x8c: {  	s17 =	simm.s32 $0x40;
	s3 =	sadd.s32 s1, s23;
	[sflag:s22] =	ssyncadd.s32 $0xFFFFC000  }
0x8d: {  	s23 =	sshrl.u32 s13, $0x3;
	s5 =	sadd.s32 s25, s3;
	_ =	swait.ge [sflag:s28], $0x4000  }
0x8e: {  	s3 =	simm.s32 $0x80;
	s0 =	sshll.u32 s30, $0x6;
	[sflag:s28] =	ssyncset.done $0x0  }
0x8f: {  	p0 =	seq.s32 s15, $0xFFFFFE00;
	s22 =	sor.u32 $0x1C07, s0;
	[sflag:s28] =	ssyncadd.s32 $0xFFFFC000  }
0x90: {  	[hbm:s5@s3], [sflag:s22] =	dma.strided [spmem:s23@s17], $0x800, s28, $0x10   }
0x91: {  	s5 =	simm.s32 @!p0 $0x8  }
0x92: {  	_ =	swait.ge @!p0 [sflag:s5], $0x800  }
0x93: {  	[sflag:s5] =	ssyncset.done @!p0 $0x0  }
0x94: {  	s29 =	sshra.s32 s15, $0x2;
	s25 =	simm.s32 $0x8000;
	[sflag:s5] =	ssyncadd.s32 @!p0 $0xFFFFF800  }
0x95: {  	[spmem:s2] =	stream.linear.scatter [tilespmem:s25], [sflag:$0x5], $0x4000, $0x38;
	[tilespmem:$0x1C000] =	vst v63  }
0x96: {  	v2 =	vld.msk [tilespmem:s29+$0x200], $0xf;
	_ =	sdelay $0x4  }
0x97: {  	v3 =	vshll.u32 v2, $0x5  }
0x98: {  	v2 =	vand.u32 $0x7, v2;
	v3 =	vand.u32 $0xFFFFFF00, v3  }
0x99: {  	v2 =	vor.u32 v2, v3  }
0x9a: {  	v2 =	vperm.xlane v2, v0;
	_ =	sdelay $0x1  }
0x9b: {  	v2 =	vadd.s32 v1, v2;
	_ =	sdelay $0x3  }
0x9c: {  	s14 =	simm.s32 $0x4000  }
0x9d: {  	[tilespmem:s14], [sflag:$0x1] =	stream.indirect_vreg.gather [hbm4b:s31+s4], $0x80, v2, vm0, $0xb8;
	[tilespmem:$0x1C000] =	vst v63  }
0x9e: {  	s14 =	simm.s32 $0x4800  }
0x9f: {  	[tilespmem:s14], [sflag:$0x1] =	stream.indirect_vreg.gather [hbm4b:s6+s4], $0x80, v2, vm0, $0xb8;
	[tilespmem:$0x1C000] =	vst v63  }
0xa0: {  	s14 =	simm.s32 $0x5000  }
0xa1: {  	[tilespmem:s14], [sflag:$0x1] =	stream.indirect_vreg.gather [hbm4b:s7+s4], $0x80, v2, vm0, $0xb8;
	[tilespmem:$0x1C000] =	vst v63  }
0xa2: {  	s14 =	simm.s32 $0x5800  }
0xa3: {  	[tilespmem:s14], [sflag:$0x1] =	stream.indirect_vreg.gather [hbm4b:s8+s4], $0x80, v2, vm0, $0xb8;
	[tilespmem:$0x1C000] =	vst v63  }
0xa4: {  	s14 =	simm.s32 $0x6000  }
0xa5: {  	[tilespmem:s14], [sflag:$0x1] =	stream.indirect_vreg.gather [hbm4b:s9+s4], $0x80, v2, vm0, $0xb8;
	[tilespmem:$0x1C000] =	vst v63  }
0xa6: {  	s14 =	simm.s32 $0x6800  }
0xa7: {  	[tilespmem:s14], [sflag:$0x1] =	stream.indirect_vreg.gather [hbm4b:s10+s4], $0x80, v2, vm0, $0xb8;
	[tilespmem:$0x1C000] =	vst v63  }
0xa8: {  	s14 =	simm.s32 $0x7000  }
0xa9: {  	[tilespmem:s14], [sflag:$0x1] =	stream.indirect_vreg.gather [hbm4b:s11+s4], $0x80, v2, vm0, $0xb8;
	[tilespmem:$0x1C000] =	vst v63  }
0xaa: {  	s14 =	simm.s32 $0x7800  }
0xab: {  	[tilespmem:s14], [sflag:$0x1] =	stream.indirect_vreg.gather [hbm4b:s12+s4], $0x80, v2, vm0, $0xb8;
	[tilespmem:$0x1C000] =	vst v63  }
0xac: {  	s14 =	simm.s32 $0x3  }
0xad: {  	_ =	swait.ge [sflag:s14], $0x4000  }
0xae: {  	[sflag:s14] =	ssyncset.done $0x0  }
0xaf: {  	s30 =	simm.s32 $0x5;
	[sflag:s14] =	ssyncadd.s32 $0xFFFFC000  }
0xb0: {  	_ =	swait.ge [sflag:s30], $0x4000  }
0xb1: {  	s5 =	sadd.s32 $0x800, s21;
	s14 =	sand.u32 $0x40, s16;
	[sflag:s30] =	ssyncset.done $0x0  }
0xb2: {  	s5 =	sand.u32 $0xFFF000, s5;
	s14 =	sadd.s32 s1, s14;
	[sflag:s30] =	ssyncadd.s32 $0xFFFFC000  }
0xb3: {  	s30 =	sadd.s32 s5, s14;
	s14 =	sor.u32 $0x1C08, s0;
	s5 =	sshrl.u32 s2, $0x3  }
0xb4: {  	[hbm:s30@s3], [sflag:s14] =	dma.strided [spmem:s5@s17], $0x800, s28, $0x10   }
0xb5: {  	s30 =	simm.s32 @!p0 $0x9  }
0xb6: {  	_ =	swait.ge @!p0 [sflag:s30], $0x800  }
0xb7: {  	[sflag:s30] =	ssyncset.done @!p0 $0x0  }
0xb8: {  	s17 =	simm.s32 $0xC000;
	s3 =	rddreg [dreg:$0xe];
	[sflag:s30] =	ssyncadd.s32 @!p0 $0xFFFFF800  }
0xb9: {  	[spmem:s3] =	stream.linear.scatter [tilespmem:s17], [sflag:$0x6], $0x4000, $0x38;
	[tilespmem:$0x1C000] =	vst v63  }
0xba: {  	v2 =	vld.msk [tilespmem:s29+$0x280], $0xf;
	_ =	sdelay $0x4  }
0xbb: {  	v3 =	vshll.u32 v2, $0x5  }
0xbc: {  	v2 =	vand.u32 $0x7, v2;
	v3 =	vand.u32 $0xFFFFFF00, v3  }
0xbd: {  	v2 =	vor.u32 v2, v3  }
0xbe: {  	v2 =	vperm.xlane v2, v0;
	_ =	sdelay $0x1  }
0xbf: {  	v2 =	vadd.s32 v1, v2;
	_ =	sdelay $0x4  }
0xc0: {  	[tilespmem:s25], [sflag:$0x2] =	stream.indirect_vreg.gather [hbm4b:s31+s4], $0x80, v2, vm0, $0xb8;
	[tilespmem:$0x1C000] =	vst v63  }
0xc1: {  	s25 =	simm.s32 $0x8800  }
0xc2: {  	[tilespmem:s25], [sflag:$0x2] =	stream.indirect_vreg.gather [hbm4b:s6+s4], $0x80, v2, vm0, $0xb8;
	[tilespmem:$0x1C000] =	vst v63  }
0xc3: {  	s17 =	simm.s32 $0x9000  }
0xc4: {  	[tilespmem:s17], [sflag:$0x2] =	stream.indirect_vreg.gather [hbm4b:s7+s4], $0x80, v2, vm0, $0xb8;
	[tilespmem:$0x1C000] =	vst v63  }
0xc5: {  	s24 =	sadd.s32 $0x3, s24;
	s17 =	simm.s32 $0x9800  }
0xc6: {  	[tilespmem:s17], [sflag:$0x2] =	stream.indirect_vreg.gather [hbm4b:s8+s4], $0x80, v2, vm0, $0xb8;
	[tilespmem:$0x1C000] =	vst v63  }
0xc7: {  	s19 =	sadd.s32 $0xC000, s19;
	s15 =	sadd.s32 $0x600, s15;
	s17 =	simm.s32 $0xA000  }
0xc8: {  	[tilespmem:s17], [sflag:$0x2] =	stream.indirect_vreg.gather [hbm4b:s9+s4], $0x80, v2, vm0, $0xb8;
	[tilespmem:$0x1C000] =	vst v63  }
0xc9: {  	s18 =	sadd.s32 $0xC000, s18;
	p0 =	sne.s32 s15, $0xFA00;
	s17 =	simm.s32 $0xA800  }
0xca: {  	[tilespmem:s17], [sflag:$0x2] =	stream.indirect_vreg.gather [hbm4b:s10+s4], $0x80, v2, vm0, $0xb8;
	[tilespmem:$0x1C000] =	vst v63  }
.Ltmp0:
0xcb: {  	s20 =	sadd.s32 $0x40, s20;
	s21 =	sadd.s32 $0x1800, s21;
	(pc) =	sbr.rel @p0 .LBB2_2-.Ltmp0, $4  }
0xcc: {  	s16 =	sadd.s32 $0xC0, s16;
	s30 =	stileid.u32;
	s17 =	simm.s32 $0xB000  }
0xcd: {  	[tilespmem:s17], [sflag:$0x2] =	stream.indirect_vreg.gather [hbm4b:s11+s4], $0x80, v2, vm0, $0xb8;
	[tilespmem:$0x1C000] =	vst v63  }
0xce: {  	s3 =	simm.s32 $0x8000;
	s29 =	smov.u32 s1;
	s17 =	simm.s32 $0xB800  }
0xcf: {  	[tilespmem:s17], [sflag:$0x2] =	stream.indirect_vreg.gather [hbm4b:s12+s4], $0x80, v2, vm0, $0xb8;
	[tilespmem:$0x1C000] =	vst v63  }
0xd0: {  	_ =	swait.ge [sflag:s26], $0x4000  }
0xd1: {  	[sflag:s26] =	ssyncset.done $0x0  }
0xd2: {  	s1 =	simm.s32 $0x6;
	s0 =	sor.u32 $0x1C09, s0;
	[sflag:s26] =	ssyncadd.s32 $0xFFFFC000  }
0xd3: {  	s17 =	simm.s32 $0x80;
	s18 =	simm.s32 $0x40;
	_ =	swait.ge [sflag:s1], $0x4000  }
0xd4: {  	s24 =	simm.s32 $0x7;
	[sflag:s1] =	ssyncset.done $0x0;
	s16 =	rddreg [dreg:$0xe]  }
0xd5: {  	s21 =	rddreg [dreg:$0x6];
	[sflag:s1] =	ssyncadd.s32 $0xFFFFC000;
	s15 =	sshrl.u32 s16, $0x3  }
0xd6: {  	[hbm:s21@s17], [sflag:s0] =	dma.strided [spmem:s15@s18], $0x800, s28, $0x10   }
0xd7: {  	_ =	swait.ge [sflag:s24], $0x800  }
0xd8: {  	[sflag:s24] =	ssyncset.done $0x0  }
0xd9: {  	s26 =	simm.s32 $0x4000;
	s15 =	simm.s32 $0x2;
	[sflag:s24] =	ssyncadd.s32 $0xFFFFF800  }
0xda: {  	[spmem:s13] =	stream.linear.scatter [tilespmem:s26], [sflag:$0x4], $0x4000, $0x38;
	[tilespmem:$0x1C000] =	vst v63  }
0xdb: {  	_ =	swait.ge [sflag:s15], $0x4000  }
0xdc: {  	[sflag:s15] =	ssyncset.done $0x0  }
0xdd: {  	[sflag:s15] =	ssyncadd.s32 $0xFFFFC000  }
0xde: {  	_ =	swait.ge [sflag:s28], $0x4000  }
0xdf: {  	[sflag:s28] =	ssyncset.done $0x0  }
0xe0: {  	s19 =	simm.s32 $0x8;
	s16 =	rddreg [dreg:$0x7];
	[sflag:s28] =	ssyncadd.s32 $0xFFFFC000  }
0xe1: {  	[hbm:s16@s17], [sflag:s22] =	dma.strided [spmem:s23@s18], $0x800, s28, $0x10   }
0xe2: {  	_ =	swait.ge [sflag:s19], $0x800  }
0xe3: {  	[sflag:s19] =	ssyncset.done $0x0  }
0xe4: {  	s20 =	simm.s32 $0x5;
	[sflag:s19] =	ssyncadd.s32 $0xFFFFF800  }
0xe5: {  	[spmem:s2] =	stream.linear.scatter [tilespmem:s3], [sflag:$0x5], $0x4000, $0x38;
	[tilespmem:$0x1C000] =	vst v63  }
0xe6: {  	_ =	swait.ge [sflag:s20], $0x4000  }
0xe7: {  	[sflag:s20] =	ssyncset.done $0x0  }
0xe8: {  	s22 =	simm.s32 $0x9;
	s21 =	rddreg [dreg:$0x8];
	[sflag:s20] =	ssyncadd.s32 $0xFFFFC000  }
0xe9: {  	[hbm:s21@s17], [sflag:s14] =	dma.strided [spmem:s5@s18], $0x800, s28, $0x10   }
0xea: {  	_ =	swait.ge [sflag:s22], $0x800  }
0xeb: {  	[sflag:s22] =	ssyncset.done $0x0  }
0xec: {  	[sflag:s22] =	ssyncadd.s32 $0xFFFFF800  }
0xed: {  	_ =	swait.ge [sflag:s24], $0x800  }
0xee: {  	[sflag:s24] =	ssyncset.done $0x0  }
0xef: {  	[sflag:s24] =	ssyncadd.s32 $0xFFFFF800  }
0xf0: {  	_ =	swait.ge [sflag:s19], $0x800  }
0xf1: {  	s23 =	rddreg [dreg:$0xd]  }
0xf2: {  	s24 =	rddreg [dreg:$0x9];
	s26 =	sadd.s32 $0x1, s23  }
0xf3: {  	p0 =	sne.s32 s26, s24  }
.Ltmp1:
0xf4: {  	s15 =	simm.s32 $0x5800;
	s16 =	simm.s32 $0x6000;
	(pc) =	sbr.rel @p0 .LBB2_1-.Ltmp1, $4  }
0xf5: {  	s20 =	simm.s32 $0x7800;
	s5 =	simm.s32 $0x4800;
	s14 =	simm.s32 $0x5000  }
0xf6: {  	s18 =	simm.s32 $0x6800;
	s21 =	simm.s32 $0x9000;
	[sflag:s19] =	ssyncset.done $0x0  }
0xf7: {  	s17 =	smov.u32 s2;
	s22 =	simm.s32 $0x9800;
	[sflag:s19] =	ssyncadd.s32 $0xFFFFF800  }
0xf8: {  	s19 =	simm.s32 $0x7000;
	s23 =	simm.s32 $0xA000;
	s24 =	simm.s32 $0xA800  }
0xf9: {  	_ =	sfence.sel $0x180000  }
0xfa: {  	[bflag:$0x0] =	sbarrier.arrive $0xFFFF  }
0xfb: {  	_ =	strace $0x90000047  }
0xfc: {  	[bflag:$0x2] =	sbarrier.arrive $0xFFFF  }
0xfd: {  	p0 =	sne.s32 s30, $0x0;
	s0 =	rddreg [dreg:$0x4]  }
0xfe: {  	s0 =	sadd.s32 @!p0 $0x100000, s0  }
0xff: {  	[sflag:s0] =	ssyncadd.tile.s32 @!p0 $0x1;
	_ =	shalt  }
.Lfunc_end2:
_tile_overlayer_lowered:
.L_overlay_start_2:
0x100: {  	(tag) =	ssettag $0x2  }
0x101: {  	s0 =	rddreg [dreg:$0x0];
	s2 =	stileid.u32  }
0x102: {  	s1 =	rddreg [dreg:$0x1];
	p0 =	sne.s32 s2, $0x0  }
0x103: {  	s3 =	rddreg [dreg:$0x2];
	[bflag:$0x3] =	sbarrier.arrive $0xFFFF;
	s2 =	simm.s32 @!p0 $0x1C0A  }
0x104: {  	[timem:s3], [sflag:s2] =	dma.local @!p0 [hbm:s0], s1  }
0x105: {  	s0 =	simm.s32 @!p0 $0xA  }
0x106: {  	_ =	swait.ge @!p0 [sflag:s0], s1  }
0x107: {  	s1 =	ssub.s32 @!p0 $0x0, s1;
	[sflag:s0] =	ssyncset.done @!p0 $0x0  }
0x108: {  	[sflag:s0] =	ssyncadd.s32 @!p0 s1  }
0x109: {  	[bflag:$0x3] =	sbarrier.arrive $0xFFFF  }
0x10a: {  	_ =	shalt  }

</sc_bundles>
